<compile_context>
chip_gen: v7x
topology: tpu7x:2x2x1
jax: 0.10.2.dev20260603
libtpu: 0.0.44.dev20260713+nightly
codegen_flags: <defaults>
</compile_context>

<pallas_src>
import functools

import jax
import jax.numpy as jnp
from jax import lax
from jax.experimental import pallas as pl
from jax.experimental.pallas import tpu as pltpu
from jax.experimental.pallas import tpu_sc as plsc

B = 16384
N_SPARSE = 26
N_DENSE = 13
VOCAB = 100000
LANES = 16
K_GROUPS = 3

_info = plsc.get_sparse_core_info()
NC, NS = _info.num_cores, _info.num_subcores
NW = NC * NS
RPW = B // NW
CHUNKS = RPW // LANES


def _sc_group_body(n_fields, n_extra, f0, *refs):
    idx_hbm = refs[0]
    planes = refs[1:1 + n_fields]
    extras = refs[1 + n_fields:1 + n_fields + n_extra]
    out_hbm = refs[1 + n_fields + n_extra]
    idx_v, gat_v, ext_v, out_v, sem = refs[2 + n_fields + n_extra:]

    wid = lax.axis_index("s") * NC + lax.axis_index("c")
    base = wid * RPW
    seg = n_fields * RPW

    pltpu.sync_copy(
        idx_hbm.at[pl.ds(wid * N_SPARSE * RPW + f0 * RPW, seg)], idx_v)
    copies = [
        pltpu.async_copy(
            planes[j].at[idx_v.at[pl.ds(j * RPW, RPW)]],
            gat_v.at[pl.ds(j * RPW, RPW)], sem)
        for j in range(n_fields)
    ]
    for e in range(n_extra):
        pltpu.sync_copy(extras[e].at[pl.ds(base, RPW)],
                        ext_v.at[pl.ds(e * RPW, RPW)])
    for c in copies:
        c.wait()

    def reduce(c, carry):
        o = c * LANES
        acc = gat_v[pl.ds(o, LANES)]
        for j in range(1, n_fields):
            acc = acc + gat_v[pl.ds(j * RPW + o, LANES)]
        for e in range(n_extra):
            acc = acc + ext_v[pl.ds(e * RPW + o, LANES)]
        out_v[pl.ds(o, LANES)] = acc
        return carry

    lax.fori_loop(0, CHUNKS, reduce, 0)
    pltpu.sync_copy(out_v, out_hbm.at[pl.ds(base, RPW)])


def _make_sc_call(n_fields, n_extra, f0):
    mesh = plsc.VectorSubcoreMesh(core_axis_name="c", subcore_axis_name="s")
    return pl.kernel(
        functools.partial(_sc_group_body, n_fields, n_extra, f0),
        mesh=mesh,
        out_type=jax.ShapeDtypeStruct((B,), jnp.float32),
        scratch_types=[
            pltpu.VMEM((n_fields * RPW,), jnp.int32),
            pltpu.VMEM((n_fields * RPW,), jnp.float32),
            pltpu.VMEM((max(n_extra, 1) * RPW,), jnp.float32),
            pltpu.VMEM((RPW,), jnp.float32),
            pltpu.SemaphoreType.DMA,
        ],
        compiler_params=pltpu.CompilerParams(needs_layout_passes=False),
    )


def _dense_body(xdt_ref, w_ref, out_ref):
    out_ref[:] = jnp.sum(xdt_ref[:] * w_ref[:], axis=0)


def _dense_matvec(X_dense, weight):
    return pl.pallas_call(
        _dense_body,
        out_shape=jax.ShapeDtypeStruct((B,), jnp.float32),
        in_specs=[
            pl.BlockSpec((N_DENSE, B), lambda: (0, 0)),
            pl.BlockSpec((N_DENSE, 1), lambda: (0, 0)),
        ],
        out_specs=pl.BlockSpec((B,), lambda: (0,)),
    )(X_dense.T, weight)


@jax.jit
def kernel(X_sparse, X_dense, tables, weight):
    gsz = [9, 9, 8]
    starts = [0, 9, 18]

    idx_all = (X_sparse.reshape(NW, RPW, N_SPARSE)
               .transpose(0, 2, 1).reshape(-1))
    dense = _dense_matvec(X_dense, weight)

    partials = []
    tab_src = tables
    for g in range(K_GROUPS):
        f0, nf = starts[g], gsz[g]
        planes_g = [tab_src[f, :, 0] for f in range(f0, f0 + nf)]
        tab_src = lax.optimization_barrier(tab_src)
        extras = [] if g < K_GROUPS - 1 else [dense] + partials
        run = _make_sc_call(nf, len(extras), f0)
        out = run(idx_all, *planes_g, *extras)
        if g < K_GROUPS - 1:
            partials.append(out)
        else:
            final = out
    return final.reshape(B, 1)

# --- scband reference (transcript-rebuilt; emitter-appended) ---
"""Pipeline reference for scband-linear-58798102282456 (READ-ONLY COPY).

The authoritative reference and input builder live on the scoring server;
editing this copy changes nothing except your own understanding.
"""

import jax, jax.numpy as jnp
import numpy as np

B = 16384
N_SPARSE = 26
N_DENSE = 13
VOCAB = 100000
INIT_STD = 0.0001


def setup_inputs(seed: int = 0) -> dict:
    key = jax.random.key(seed)
    k1, k2, k3, k4 = jax.random.split(key, 4)
    X_sparse = jax.random.randint(k1, (B, N_SPARSE), 0, VOCAB, dtype=jnp.int32)
    X_dense = jax.random.normal(k2, (B, N_DENSE), dtype=jnp.float32)
    # 26 linear embedding tables (embedding_dim=1), stacked: [n_fields, vocab, 1]
    tables = jax.random.normal(k3, (N_SPARSE, VOCAB, 1), dtype=jnp.float32) * INIT_STD
    # dense linear weight: [sum(dense dims), 1]
    weight = jax.random.normal(k4, (N_DENSE, 1), dtype=jnp.float32) * INIT_STD
    return {"X_sparse": X_sparse, "X_dense": X_dense, "tables": tables, "weight": weight}


def reference(X_sparse, X_dense, tables, weight):
    # collect_inputs_and_embeddings: per-field 1-dim embedding lookup
    # gathered[b, f] = tables[f, X_sparse[b, f], 0]
    field_ids = jnp.arange(tables.shape[0])[None, :]  # [1, n_fields]
    gathered = tables[field_ids, X_sparse, 0]  # [B, n_fields]
    # cat over last dim then sum(dim=-1) == sum of per-field scalar embeddings
    sparse_feat_logit = jnp.sum(gathered, axis=-1, keepdims=True)  # [B, 1]
    linear_logit = jnp.zeros((X_sparse.shape[0], 1), dtype=jnp.float32)
    linear_logit = linear_logit + sparse_feat_logit
    # dense part: cat(dense_values) @ weight
    dense_value_logit = X_dense @ weight  # [B, 1]
    linear_logit = linear_logit + dense_value_logit
    return linear_logit

if __name__ == "__main__":
    import jax
    _d = setup_inputs()
    print(jax.jit(kernel)(*tuple(_d.values())))

</pallas_src>

<mosaic_0001>
#map = affine_map<(d0, d1) -> (0)>
module attributes {stable_mosaic.version = 14 : i64} {
  func.func @_sc_group_body(%arg0: i32, %arg1: i32, %arg2: memref<425984xi32, #tpu.memory_space<hbm>>, %arg3: memref<100000xf32, #tpu.memory_space<hbm>>, %arg4: memref<100000xf32, #tpu.memory_space<hbm>>, %arg5: memref<100000xf32, #tpu.memory_space<hbm>>, %arg6: memref<100000xf32, #tpu.memory_space<hbm>>, %arg7: memref<100000xf32, #tpu.memory_space<hbm>>, %arg8: memref<100000xf32, #tpu.memory_space<hbm>>, %arg9: memref<100000xf32, #tpu.memory_space<hbm>>, %arg10: memref<100000xf32, #tpu.memory_space<hbm>>, %arg11: memref<100000xf32, #tpu.memory_space<hbm>>, %arg12: memref<16384xf32, #tpu.memory_space<hbm>>, %arg13: memref<4608xi32, #tpu.memory_space<vmem>>, %arg14: memref<4608xf32, #tpu.memory_space<vmem>>, %arg15: memref<512xf32, #tpu.memory_space<vmem>>, %arg16: memref<512xf32, #tpu.memory_space<vmem>>, %arg17: memref<!tpu.dma_semaphore, #tpu.memory_space<semaphore_mem>>) attributes {dimension_semantics = [#tpu.dimension_semantics<core_parallel>, #tpu.dimension_semantics<subcore_parallel>], iteration_bounds = array<i64: 2, 16>, scalar_prefetch = 0 : i64, scratch_operands = 5 : i64, tpu.core_type = #tpu.core_type<sc_vector_subcore>, window_params = [{transform_indices = #map}, {transform_indices = #map}, {transform_indices = #map}, {transform_indices = #map}, {transform_indices = #map}, {transform_indices = #map}, {transform_indices = #map}, {transform_indices = #map}, {transform_indices = #map}, {transform_indices = #map}, {transform_indices = #map}]} {
    %mul3A = arith.constant 2 : i32
    %mul3A_0 = arith.muli %arg1, %mul3A : i32
    %add3A = arith.addi %mul3A_0, %arg0 : i32
    %mul3A_1 = arith.constant 512 : i32
    %mul3A_2 = arith.muli %add3A, %mul3A_1 : i32
    %mul3A_3 = arith.constant 26 : i32
    %mul3A_4 = arith.muli %add3A, %mul3A_3 : i32
    %mul3A_5 = arith.constant 512 : i32
    %mul3A_6 = arith.muli %mul3A_4, %mul3A_5 : i32
    %add3A_7 = arith.constant 4608 : i32
    %add3A_8 = arith.addi %mul3A_6, %add3A_7 : i32
    "tpu.region"() ({
      %run_scoped3A = tpu.sem_alloc : memref<!tpu.dma_semaphore, #tpu.memory_space<semaphore_mem>>
      %dma_start3A_120 = tpu.memref_slice %arg2[%add3A_8] : memref<425984xi32, #tpu.memory_space<hbm>> -> memref<4608xi32, #tpu.memory_space<hbm>>
      %dma_start3A_121 = tpu.memref_slice %arg2[%add3A_8] : memref<425984xi32, #tpu.memory_space<hbm>> -> memref<4608xi32, #tpu.memory_space<hbm>>
      tpu.enqueue_dma source(%dma_start3A_121 : memref<4608xi32, #tpu.memory_space<hbm>>) target(%arg13 : memref<4608xi32, #tpu.memory_space<vmem>>) target_semaphore(%run_scoped3A : memref<!tpu.dma_semaphore, #tpu.memory_space<semaphore_mem>>)
      %dma_wait3A_122 = tpu.memref_slice %arg2[%add3A_8] : memref<425984xi32, #tpu.memory_space<hbm>> -> memref<4608xi32, #tpu.memory_space<hbm>>
      %dma_wait3A_123 = tpu.memref_slice %arg2[%add3A_8] : memref<425984xi32, #tpu.memory_space<hbm>> -> memref<4608xi32, #tpu.memory_space<hbm>>
      tpu.wait_dma2 semaphore(%run_scoped3A : memref<!tpu.dma_semaphore, #tpu.memory_space<semaphore_mem>>) src(%dma_wait3A_123 : memref<4608xi32, #tpu.memory_space<hbm>>) dst(%arg13 : memref<4608xi32, #tpu.memory_space<vmem>>)
      tpu.yield
    }) : () -> ()
    %dma_start3A = arith.constant 0 : i32
    %dma_start3A_9 = tpu.memref_slice %arg14[%dma_start3A] : memref<4608xf32, #tpu.memory_space<vmem>> -> memref<512xf32, #tpu.memory_space<vmem>>
    %dma_start3A_10 = arith.constant 0 : i32
    %dma_start3A_11 = tpu.memref_slice %arg13[%dma_start3A_10] : memref<4608xi32, #tpu.memory_space<vmem>> -> memref<512xi32, #tpu.memory_space<vmem>>
    %dma_start3A_12 = arith.constant 0 : i32
    %dma_start3A_13 = tpu.memref_slice %arg3[%dma_start3A_12] : memref<100000xf32, #tpu.memory_space<hbm>> -> memref<100000xf32, #tpu.memory_space<hbm>>
    tpu.enqueue_indirect_dma source(%dma_start3A_13 : memref<100000xf32, #tpu.memory_space<hbm>>) target(%dma_start3A_9 : memref<512xf32, #tpu.memory_space<vmem>>) offsets(%dma_start3A_11 : memref<512xi32, #tpu.memory_space<vmem>>) semaphore(%arg17 : memref<!tpu.dma_semaphore, #tpu.memory_space<semaphore_mem>>)
    %dma_start3A_14 = arith.constant 512 : i32
    %dma_start3A_15 = tpu.memref_slice %arg14[%dma_start3A_14] : memref<4608xf32, #tpu.memory_space<vmem>> -> memref<512xf32, #tpu.memory_space<vmem>>
    %dma_start3A_16 = arith.constant 512 : i32
    %dma_start3A_17 = tpu.memref_slice %arg13[%dma_start3A_16] : memref<4608xi32, #tpu.memory_space<vmem>> -> memref<512xi32, #tpu.memory_space<vmem>>
    %dma_start3A_18 = arith.constant 0 : i32
    %dma_start3A_19 = tpu.memref_slice %arg4[%dma_start3A_18] : memref<100000xf32, #tpu.memory_space<hbm>> -> memref<100000xf32, #tpu.memory_space<hbm>>
    tpu.enqueue_indirect_dma source(%dma_start3A_19 : memref<100000xf32, #tpu.memory_space<hbm>>) target(%dma_start3A_15 : memref<512xf32, #tpu.memory_space<vmem>>) offsets(%dma_start3A_17 : memref<512xi32, #tpu.memory_space<vmem>>) semaphore(%arg17 : memref<!tpu.dma_semaphore, #tpu.memory_space<semaphore_mem>>)
    %dma_start3A_20 = arith.constant 1024 : i32
    %dma_start3A_21 = tpu.memref_slice %arg14[%dma_start3A_20] : memref<4608xf32, #tpu.memory_space<vmem>> -> memref<512xf32, #tpu.memory_space<vmem>>
    %dma_start3A_22 = arith.constant 1024 : i32
    %dma_start3A_23 = tpu.memref_slice %arg13[%dma_start3A_22] : memref<4608xi32, #tpu.memory_space<vmem>> -> memref<512xi32, #tpu.memory_space<vmem>>
    %dma_start3A_24 = arith.constant 0 : i32
    %dma_start3A_25 = tpu.memref_slice %arg5[%dma_start3A_24] : memref<100000xf32, #tpu.memory_space<hbm>> -> memref<100000xf32, #tpu.memory_space<hbm>>
    tpu.enqueue_indirect_dma source(%dma_start3A_25 : memref<100000xf32, #tpu.memory_space<hbm>>) target(%dma_start3A_21 : memref<512xf32, #tpu.memory_space<vmem>>) offsets(%dma_start3A_23 : memref<512xi32, #tpu.memory_space<vmem>>) semaphore(%arg17 : memref<!tpu.dma_semaphore, #tpu.memory_space<semaphore_mem>>)
    %dma_start3A_26 = arith.constant 1536 : i32
    %dma_start3A_27 = tpu.memref_slice %arg14[%dma_start3A_26] : memref<4608xf32, #tpu.memory_space<vmem>> -> memref<512xf32, #tpu.memory_space<vmem>>
    %dma_start3A_28 = arith.constant 1536 : i32
    %dma_start3A_29 = tpu.memref_slice %arg13[%dma_start3A_28] : memref<4608xi32, #tpu.memory_space<vmem>> -> memref<512xi32, #tpu.memory_space<vmem>>
    %dma_start3A_30 = arith.constant 0 : i32
    %dma_start3A_31 = tpu.memref_slice %arg6[%dma_start3A_30] : memref<100000xf32, #tpu.memory_space<hbm>> -> memref<100000xf32, #tpu.memory_space<hbm>>
    tpu.enqueue_indirect_dma source(%dma_start3A_31 : memref<100000xf32, #tpu.memory_space<hbm>>) target(%dma_start3A_27 : memref<512xf32, #tpu.memory_space<vmem>>) offsets(%dma_start3A_29 : memref<512xi32, #tpu.memory_space<vmem>>) semaphore(%arg17 : memref<!tpu.dma_semaphore, #tpu.memory_space<semaphore_mem>>)
    %dma_start3A_32 = arith.constant 2048 : i32
    %dma_start3A_33 = tpu.memref_slice %arg14[%dma_start3A_32] : memref<4608xf32, #tpu.memory_space<vmem>> -> memref<512xf32, #tpu.memory_space<vmem>>
    %dma_start3A_34 = arith.constant 2048 : i32
    %dma_start3A_35 = tpu.memref_slice %arg13[%dma_start3A_34] : memref<4608xi32, #tpu.memory_space<vmem>> -> memref<512xi32, #tpu.memory_space<vmem>>
    %dma_start3A_36 = arith.constant 0 : i32
    %dma_start3A_37 = tpu.memref_slice %arg7[%dma_start3A_36] : memref<100000xf32, #tpu.memory_space<hbm>> -> memref<100000xf32, #tpu.memory_space<hbm>>
    tpu.enqueue_indirect_dma source(%dma_start3A_37 : memref<100000xf32, #tpu.memory_space<hbm>>) target(%dma_start3A_33 : memref<512xf32, #tpu.memory_space<vmem>>) offsets(%dma_start3A_35 : memref<512xi32, #tpu.memory_space<vmem>>) semaphore(%arg17 : memref<!tpu.dma_semaphore, #tpu.memory_space<semaphore_mem>>)
    %dma_start3A_38 = arith.constant 2560 : i32
    %dma_start3A_39 = tpu.memref_slice %arg14[%dma_start3A_38] : memref<4608xf32, #tpu.memory_space<vmem>> -> memref<512xf32, #tpu.memory_space<vmem>>
    %dma_start3A_40 = arith.constant 2560 : i32
    %dma_start3A_41 = tpu.memref_slice %arg13[%dma_start3A_40] : memref<4608xi32, #tpu.memory_space<vmem>> -> memref<512xi32, #tpu.memory_space<vmem>>
    %dma_start3A_42 = arith.constant 0 : i32
    %dma_start3A_43 = tpu.memref_slice %arg8[%dma_start3A_42] : memref<100000xf32, #tpu.memory_space<hbm>> -> memref<100000xf32, #tpu.memory_space<hbm>>
    tpu.enqueue_indirect_dma source(%dma_start3A_43 : memref<100000xf32, #tpu.memory_space<hbm>>) target(%dma_start3A_39 : memref<512xf32, #tpu.memory_space<vmem>>) offsets(%dma_start3A_41 : memref<512xi32, #tpu.memory_space<vmem>>) semaphore(%arg17 : memref<!tpu.dma_semaphore, #tpu.memory_space<semaphore_mem>>)
    %dma_start3A_44 = arith.constant 3072 : i32
    %dma_start3A_45 = tpu.memref_slice %arg14[%dma_start3A_44] : memref<4608xf32, #tpu.memory_space<vmem>> -> memref<512xf32, #tpu.memory_space<vmem>>
    %dma_start3A_46 = arith.constant 3072 : i32
    %dma_start3A_47 = tpu.memref_slice %arg13[%dma_start3A_46] : memref<4608xi32, #tpu.memory_space<vmem>> -> memref<512xi32, #tpu.memory_space<vmem>>
    %dma_start3A_48 = arith.constant 0 : i32
    %dma_start3A_49 = tpu.memref_slice %arg9[%dma_start3A_48] : memref<100000xf32, #tpu.memory_space<hbm>> -> memref<100000xf32, #tpu.memory_space<hbm>>
    tpu.enqueue_indirect_dma source(%dma_start3A_49 : memref<100000xf32, #tpu.memory_space<hbm>>) target(%dma_start3A_45 : memref<512xf32, #tpu.memory_space<vmem>>) offsets(%dma_start3A_47 : memref<512xi32, #tpu.memory_space<vmem>>) semaphore(%arg17 : memref<!tpu.dma_semaphore, #tpu.memory_space<semaphore_mem>>)
    %dma_start3A_50 = arith.constant 3584 : i32
    %dma_start3A_51 = tpu.memref_slice %arg14[%dma_start3A_50] : memref<4608xf32, #tpu.memory_space<vmem>> -> memref<512xf32, #tpu.memory_space<vmem>>
    %dma_start3A_52 = arith.constant 3584 : i32
    %dma_start3A_53 = tpu.memref_slice %arg13[%dma_start3A_52] : memref<4608xi32, #tpu.memory_space<vmem>> -> memref<512xi32, #tpu.memory_space<vmem>>
    %dma_start3A_54 = arith.constant 0 : i32
    %dma_start3A_55 = tpu.memref_slice %arg10[%dma_start3A_54] : memref<100000xf32, #tpu.memory_space<hbm>> -> memref<100000xf32, #tpu.memory_space<hbm>>
    tpu.enqueue_indirect_dma source(%dma_start3A_55 : memref<100000xf32, #tpu.memory_space<hbm>>) target(%dma_start3A_51 : memref<512xf32, #tpu.memory_space<vmem>>) offsets(%dma_start3A_53 : memref<512xi32, #tpu.memory_space<vmem>>) semaphore(%arg17 : memref<!tpu.dma_semaphore, #tpu.memory_space<semaphore_mem>>)
    %dma_start3A_56 = arith.constant 4096 : i32
    %dma_start3A_57 = tpu.memref_slice %arg14[%dma_start3A_56] : memref<4608xf32, #tpu.memory_space<vmem>> -> memref<512xf32, #tpu.memory_space<vmem>>
    %dma_start3A_58 = arith.constant 4096 : i32
    %dma_start3A_59 = tpu.memref_slice %arg13[%dma_start3A_58] : memref<4608xi32, #tpu.memory_space<vmem>> -> memref<512xi32, #tpu.memory_space<vmem>>
    %dma_start3A_60 = arith.constant 0 : i32
    %dma_start3A_61 = tpu.memref_slice %arg11[%dma_start3A_60] : memref<100000xf32, #tpu.memory_space<hbm>> -> memref<100000xf32, #tpu.memory_space<hbm>>
    tpu.enqueue_indirect_dma source(%dma_start3A_61 : memref<100000xf32, #tpu.memory_space<hbm>>) target(%dma_start3A_57 : memref<512xf32, #tpu.memory_space<vmem>>) offsets(%dma_start3A_59 : memref<512xi32, #tpu.memory_space<vmem>>) semaphore(%arg17 : memref<!tpu.dma_semaphore, #tpu.memory_space<semaphore_mem>>)
    %dma_wait3A = arith.constant 0 : i32
    %dma_wait3A_62 = tpu.memref_slice %arg14[%dma_wait3A] : memref<4608xf32, #tpu.memory_space<vmem>> -> memref<512xf32, #tpu.memory_space<vmem>>
    %dma_wait3A_63 = arith.constant 0 : i32
    %dma_wait3A_64 = tpu.memref_slice %arg13[%dma_wait3A_63] : memref<4608xi32, #tpu.memory_space<vmem>> -> memref<512xi32, #tpu.memory_space<vmem>>
    %dma_wait3A_65 = arith.constant 0 : i32
    %dma_wait3A_66 = tpu.memref_slice %arg3[%dma_wait3A_65] : memref<100000xf32, #tpu.memory_space<hbm>> -> memref<100000xf32, #tpu.memory_space<hbm>>
    tpu.wait_indirect_dma semaphore(%arg17 : memref<!tpu.dma_semaphore, #tpu.memory_space<semaphore_mem>>) src(%dma_wait3A_66 : memref<100000xf32, #tpu.memory_space<hbm>>) dst(%dma_wait3A_62 : memref<512xf32, #tpu.memory_space<vmem>>)
    %dma_wait3A_67 = arith.constant 512 : i32
    %dma_wait3A_68 = tpu.memref_slice %arg14[%dma_wait3A_67] : memref<4608xf32, #tpu.memory_space<vmem>> -> memref<512xf32, #tpu.memory_space<vmem>>
    %dma_wait3A_69 = arith.constant 512 : i32
    %dma_wait3A_70 = tpu.memref_slice %arg13[%dma_wait3A_69] : memref<4608xi32, #tpu.memory_space<vmem>> -> memref<512xi32, #tpu.memory_space<vmem>>
    %dma_wait3A_71 = arith.constant 0 : i32
    %dma_wait3A_72 = tpu.memref_slice %arg4[%dma_wait3A_71] : memref<100000xf32, #tpu.memory_space<hbm>> -> memref<100000xf32, #tpu.memory_space<hbm>>
    tpu.wait_indirect_dma semaphore(%arg17 : memref<!tpu.dma_semaphore, #tpu.memory_space<semaphore_mem>>) src(%dma_wait3A_72 : memref<100000xf32, #tpu.memory_space<hbm>>) dst(%dma_wait3A_68 : memref<512xf32, #tpu.memory_space<vmem>>)
    %dma_wait3A_73 = arith.constant 1024 : i32
    %dma_wait3A_74 = tpu.memref_slice %arg14[%dma_wait3A_73] : memref<4608xf32, #tpu.memory_space<vmem>> -> memref<512xf32, #tpu.memory_space<vmem>>
    %dma_wait3A_75 = arith.constant 1024 : i32
    %dma_wait3A_76 = tpu.memref_slice %arg13[%dma_wait3A_75] : memref<4608xi32, #tpu.memory_space<vmem>> -> memref<512xi32, #tpu.memory_space<vmem>>
    %dma_wait3A_77 = arith.constant 0 : i32
    %dma_wait3A_78 = tpu.memref_slice %arg5[%dma_wait3A_77] : memref<100000xf32, #tpu.memory_space<hbm>> -> memref<100000xf32, #tpu.memory_space<hbm>>
    tpu.wait_indirect_dma semaphore(%arg17 : memref<!tpu.dma_semaphore, #tpu.memory_space<semaphore_mem>>) src(%dma_wait3A_78 : memref<100000xf32, #tpu.memory_space<hbm>>) dst(%dma_wait3A_74 : memref<512xf32, #tpu.memory_space<vmem>>)
    %dma_wait3A_79 = arith.constant 1536 : i32
    %dma_wait3A_80 = tpu.memref_slice %arg14[%dma_wait3A_79] : memref<4608xf32, #tpu.memory_space<vmem>> -> memref<512xf32, #tpu.memory_space<vmem>>
    %dma_wait3A_81 = arith.constant 1536 : i32
    %dma_wait3A_82 = tpu.memref_slice %arg13[%dma_wait3A_81] : memref<4608xi32, #tpu.memory_space<vmem>> -> memref<512xi32, #tpu.memory_space<vmem>>
    %dma_wait3A_83 = arith.constant 0 : i32
    %dma_wait3A_84 = tpu.memref_slice %arg6[%dma_wait3A_83] : memref<100000xf32, #tpu.memory_space<hbm>> -> memref<100000xf32, #tpu.memory_space<hbm>>
    tpu.wait_indirect_dma semaphore(%arg17 : memref<!tpu.dma_semaphore, #tpu.memory_space<semaphore_mem>>) src(%dma_wait3A_84 : memref<100000xf32, #tpu.memory_space<hbm>>) dst(%dma_wait3A_80 : memref<512xf32, #tpu.memory_space<vmem>>)
    %dma_wait3A_85 = arith.constant 2048 : i32
    %dma_wait3A_86 = tpu.memref_slice %arg14[%dma_wait3A_85] : memref<4608xf32, #tpu.memory_space<vmem>> -> memref<512xf32, #tpu.memory_space<vmem>>
    %dma_wait3A_87 = arith.constant 2048 : i32
    %dma_wait3A_88 = tpu.memref_slice %arg13[%dma_wait3A_87] : memref<4608xi32, #tpu.memory_space<vmem>> -> memref<512xi32, #tpu.memory_space<vmem>>
    %dma_wait3A_89 = arith.constant 0 : i32
    %dma_wait3A_90 = tpu.memref_slice %arg7[%dma_wait3A_89] : memref<100000xf32, #tpu.memory_space<hbm>> -> memref<100000xf32, #tpu.memory_space<hbm>>
    tpu.wait_indirect_dma semaphore(%arg17 : memref<!tpu.dma_semaphore, #tpu.memory_space<semaphore_mem>>) src(%dma_wait3A_90 : memref<100000xf32, #tpu.memory_space<hbm>>) dst(%dma_wait3A_86 : memref<512xf32, #tpu.memory_space<vmem>>)
    %dma_wait3A_91 = arith.constant 2560 : i32
    %dma_wait3A_92 = tpu.memref_slice %arg14[%dma_wait3A_91] : memref<4608xf32, #tpu.memory_space<vmem>> -> memref<512xf32, #tpu.memory_space<vmem>>
    %dma_wait3A_93 = arith.constant 2560 : i32
    %dma_wait3A_94 = tpu.memref_slice %arg13[%dma_wait3A_93] : memref<4608xi32, #tpu.memory_space<vmem>> -> memref<512xi32, #tpu.memory_space<vmem>>
    %dma_wait3A_95 = arith.constant 0 : i32
    %dma_wait3A_96 = tpu.memref_slice %arg8[%dma_wait3A_95] : memref<100000xf32, #tpu.memory_space<hbm>> -> memref<100000xf32, #tpu.memory_space<hbm>>
    tpu.wait_indirect_dma semaphore(%arg17 : memref<!tpu.dma_semaphore, #tpu.memory_space<semaphore_mem>>) src(%dma_wait3A_96 : memref<100000xf32, #tpu.memory_space<hbm>>) dst(%dma_wait3A_92 : memref<512xf32, #tpu.memory_space<vmem>>)
    %dma_wait3A_97 = arith.constant 3072 : i32
    %dma_wait3A_98 = tpu.memref_slice %arg14[%dma_wait3A_97] : memref<4608xf32, #tpu.memory_space<vmem>> -> memref<512xf32, #tpu.memory_space<vmem>>
    %dma_wait3A_99 = arith.constant 3072 : i32
    %dma_wait3A_100 = tpu.memref_slice %arg13[%dma_wait3A_99] : memref<4608xi32, #tpu.memory_space<vmem>> -> memref<512xi32, #tpu.memory_space<vmem>>
    %dma_wait3A_101 = arith.constant 0 : i32
    %dma_wait3A_102 = tpu.memref_slice %arg9[%dma_wait3A_101] : memref<100000xf32, #tpu.memory_space<hbm>> -> memref<100000xf32, #tpu.memory_space<hbm>>
    tpu.wait_indirect_dma semaphore(%arg17 : memref<!tpu.dma_semaphore, #tpu.memory_space<semaphore_mem>>) src(%dma_wait3A_102 : memref<100000xf32, #tpu.memory_space<hbm>>) dst(%dma_wait3A_98 : memref<512xf32, #tpu.memory_space<vmem>>)
    %dma_wait3A_103 = arith.constant 3584 : i32
    %dma_wait3A_104 = tpu.memref_slice %arg14[%dma_wait3A_103] : memref<4608xf32, #tpu.memory_space<vmem>> -> memref<512xf32, #tpu.memory_space<vmem>>
    %dma_wait3A_105 = arith.constant 3584 : i32
    %dma_wait3A_106 = tpu.memref_slice %arg13[%dma_wait3A_105] : memref<4608xi32, #tpu.memory_space<vmem>> -> memref<512xi32, #tpu.memory_space<vmem>>
    %dma_wait3A_107 = arith.constant 0 : i32
    %dma_wait3A_108 = tpu.memref_slice %arg10[%dma_wait3A_107] : memref<100000xf32, #tpu.memory_space<hbm>> -> memref<100000xf32, #tpu.memory_space<hbm>>
    tpu.wait_indirect_dma semaphore(%arg17 : memref<!tpu.dma_semaphore, #tpu.memory_space<semaphore_mem>>) src(%dma_wait3A_108 : memref<100000xf32, #tpu.memory_space<hbm>>) dst(%dma_wait3A_104 : memref<512xf32, #tpu.memory_space<vmem>>)
    %dma_wait3A_109 = arith.constant 4096 : i32
    %dma_wait3A_110 = tpu.memref_slice %arg14[%dma_wait3A_109] : memref<4608xf32, #tpu.memory_space<vmem>> -> memref<512xf32, #tpu.memory_space<vmem>>
    %dma_wait3A_111 = arith.constant 4096 : i32
    %dma_wait3A_112 = tpu.memref_slice %arg13[%dma_wait3A_111] : memref<4608xi32, #tpu.memory_space<vmem>> -> memref<512xi32, #tpu.memory_space<vmem>>
    %dma_wait3A_113 = arith.constant 0 : i32
    %dma_wait3A_114 = tpu.memref_slice %arg11[%dma_wait3A_113] : memref<100000xf32, #tpu.memory_space<hbm>> -> memref<100000xf32, #tpu.memory_space<hbm>>
    tpu.wait_indirect_dma semaphore(%arg17 : memref<!tpu.dma_semaphore, #tpu.memory_space<semaphore_mem>>) src(%dma_wait3A_114 : memref<100000xf32, #tpu.memory_space<hbm>>) dst(%dma_wait3A_110 : memref<512xf32, #tpu.memory_space<vmem>>)
    %scan3A = arith.constant 0 : i32
    %scan3A_115 = arith.constant 0 : i32
    %scan3A_116 = arith.constant 32 : i32
    %scan3A_117 = arith.addi %scan3A_115, %scan3A_116 : i32
    %scan3A_118 = arith.constant 1 : i32
    scf.for %scan3A_120 = %scan3A_115 to %scan3A_117 step %scan3A_118  : i32 {
      %mul3A_121 = arith.constant 16 : i32
      %mul3A_122 = arith.muli %scan3A_120, %mul3A_121 : i32
      %get3A = arith.index_cast %mul3A_122 : i32 to index
      %get3A_123 = tpu.vector_load %arg14[%get3A] {strides = array<i32>} : memref<4608xf32, #tpu.memory_space<vmem>>, vector<16xf32>,
      %add3A_124 = arith.constant 512 : i32
      %add3A_125 = arith.addi %add3A_124, %mul3A_122 : i32
      %get3A_126 = arith.index_cast %add3A_125 : i32 to index
      %get3A_127 = tpu.vector_load %arg14[%get3A_126] {strides = array<i32>} : memref<4608xf32, #tpu.memory_space<vmem>>, vector<16xf32>,
      %add3A_128 = arith.addf %get3A_123, %get3A_127 : vector<16xf32>
      %add3A_129 = arith.constant 1024 : i32
      %add3A_130 = arith.addi %add3A_129, %mul3A_122 : i32
      %get3A_131 = arith.index_cast %add3A_130 : i32 to index
      %get3A_132 = tpu.vector_load %arg14[%get3A_131] {strides = array<i32>} : memref<4608xf32, #tpu.memory_space<vmem>>, vector<16xf32>,
      %add3A_133 = arith.addf %add3A_128, %get3A_132 : vector<16xf32>
      %add3A_134 = arith.constant 1536 : i32
      %add3A_135 = arith.addi %add3A_134, %mul3A_122 : i32
      %get3A_136 = arith.index_cast %add3A_135 : i32 to index
      %get3A_137 = tpu.vector_load %arg14[%get3A_136] {strides = array<i32>} : memref<4608xf32, #tpu.memory_space<vmem>>, vector<16xf32>,
      %add3A_138 = arith.addf %add3A_133, %get3A_137 : vector<16xf32>
      %add3A_139 = arith.constant 2048 : i32
      %add3A_140 = arith.addi %add3A_139, %mul3A_122 : i32
      %get3A_141 = arith.index_cast %add3A_140 : i32 to index
      %get3A_142 = tpu.vector_load %arg14[%get3A_141] {strides = array<i32>} : memref<4608xf32, #tpu.memory_space<vmem>>, vector<16xf32>,
      %add3A_143 = arith.addf %add3A_138, %get3A_142 : vector<16xf32>
      %add3A_144 = arith.constant 2560 : i32
      %add3A_145 = arith.addi %add3A_144, %mul3A_122 : i32
      %get3A_146 = arith.index_cast %add3A_145 : i32 to index
      %get3A_147 = tpu.vector_load %arg14[%get3A_146] {strides = array<i32>} : memref<4608xf32, #tpu.memory_space<vmem>>, vector<16xf32>,
      %add3A_148 = arith.addf %add3A_143, %get3A_147 : vector<16xf32>
      %add3A_149 = arith.constant 3072 : i32
      %add3A_150 = arith.addi %add3A_149, %mul3A_122 : i32
      %get3A_151 = arith.index_cast %add3A_150 : i32 to index
      %get3A_152 = tpu.vector_load %arg14[%get3A_151] {strides = array<i32>} : memref<4608xf32, #tpu.memory_space<vmem>>, vector<16xf32>,
      %add3A_153 = arith.addf %add3A_148, %get3A_152 : vector<16xf32>
      %add3A_154 = arith.constant 3584 : i32
      %add3A_155 = arith.addi %add3A_154, %mul3A_122 : i32
      %get3A_156 = arith.index_cast %add3A_155 : i32 to index
      %get3A_157 = tpu.vector_load %arg14[%get3A_156] {strides = array<i32>} : memref<4608xf32, #tpu.memory_space<vmem>>, vector<16xf32>,
      %add3A_158 = arith.addf %add3A_153, %get3A_157 : vector<16xf32>
      %add3A_159 = arith.constant 4096 : i32
      %add3A_160 = arith.addi %add3A_159, %mul3A_122 : i32
      %get3A_161 = arith.index_cast %add3A_160 : i32 to index
      %get3A_162 = tpu.vector_load %arg14[%get3A_161] {strides = array<i32>} : memref<4608xf32, #tpu.memory_space<vmem>>, vector<16xf32>,
      %add3A_163 = arith.addf %add3A_158, %get3A_162 : vector<16xf32>
      %swap3A = arith.index_cast %mul3A_122 : i32 to index
      %swap3A_164 = tpu.vector_load %arg16[%swap3A] {strides = array<i32>} : memref<512xf32, #tpu.memory_space<vmem>>, vector<16xf32>,
      tpu.vector_store %arg16[%swap3A], %add3A_163 {strides = array<i32>} : memref<512xf32, #tpu.memory_space<vmem>>, vector<16xf32>,
    }
    %scan3A_119 = arith.constant 32 : i32
    "tpu.region"() ({
      %run_scoped3A = tpu.sem_alloc : memref<!tpu.dma_semaphore, #tpu.memory_space<semaphore_mem>>
      %dma_start3A_120 = tpu.memref_slice %arg12[%mul3A_2] : memref<16384xf32, #tpu.memory_space<hbm>> -> memref<512xf32, #tpu.memory_space<hbm>>
      %dma_start3A_121 = tpu.memref_slice %arg12[%mul3A_2] : memref<16384xf32, #tpu.memory_space<hbm>> -> memref<512xf32, #tpu.memory_space<hbm>>
      tpu.enqueue_dma source(%arg16 : memref<512xf32, #tpu.memory_space<vmem>>) target(%dma_start3A_121 : memref<512xf32, #tpu.memory_space<hbm>>) target_semaphore(%run_scoped3A : memref<!tpu.dma_semaphore, #tpu.memory_space<semaphore_mem>>)
      %dma_wait3A_122 = tpu.memref_slice %arg12[%mul3A_2] : memref<16384xf32, #tpu.memory_space<hbm>> -> memref<512xf32, #tpu.memory_space<hbm>>
      %dma_wait3A_123 = tpu.memref_slice %arg12[%mul3A_2] : memref<16384xf32, #tpu.memory_space<hbm>> -> memref<512xf32, #tpu.memory_space<hbm>>
      tpu.wait_dma2 semaphore(%run_scoped3A : memref<!tpu.dma_semaphore, #tpu.memory_space<semaphore_mem>>) src(%arg16 : memref<512xf32, #tpu.memory_space<vmem>>) dst(%dma_wait3A_123 : memref<512xf32, #tpu.memory_space<hbm>>)
      tpu.yield
    }) : () -> ()
    return
  }
}

#map = affine_map<(d0, d1) -> (0)>
module attributes {stable_mosaic.version = 14 : i64} {
  func.func @_sc_group_body(%arg0: i32, %arg1: i32, %arg2: memref<425984xi32, #tpu.memory_space<hbm>>, %arg3: memref<100000xf32, #tpu.memory_space<hbm>>, %arg4: memref<100000xf32, #tpu.memory_space<hbm>>, %arg5: memref<100000xf32, #tpu.memory_space<hbm>>, %arg6: memref<100000xf32, #tpu.memory_space<hbm>>, %arg7: memref<100000xf32, #tpu.memory_space<hbm>>, %arg8: memref<100000xf32, #tpu.memory_space<hbm>>, %arg9: memref<100000xf32, #tpu.memory_space<hbm>>, %arg10: memref<100000xf32, #tpu.memory_space<hbm>>, %arg11: memref<100000xf32, #tpu.memory_space<hbm>>, %arg12: memref<16384xf32, #tpu.memory_space<hbm>>, %arg13: memref<4608xi32, #tpu.memory_space<vmem>>, %arg14: memref<4608xf32, #tpu.memory_space<vmem>>, %arg15: memref<512xf32, #tpu.memory_space<vmem>>, %arg16: memref<512xf32, #tpu.memory_space<vmem>>, %arg17: memref<!tpu.dma_semaphore, #tpu.memory_space<semaphore_mem>>) attributes {dimension_semantics = [#tpu.dimension_semantics<core_parallel>, #tpu.dimension_semantics<subcore_parallel>], iteration_bounds = array<i64: 2, 16>, scalar_prefetch = 0 : i64, scratch_operands = 5 : i64, tpu.core_type = #tpu.core_type<sc_vector_subcore>, window_params = [{transform_indices = #map}, {transform_indices = #map}, {transform_indices = #map}, {transform_indices = #map}, {transform_indices = #map}, {transform_indices = #map}, {transform_indices = #map}, {transform_indices = #map}, {transform_indices = #map}, {transform_indices = #map}, {transform_indices = #map}]} {
    %mul3A = arith.constant 2 : i32
    %mul3A_0 = arith.muli %arg1, %mul3A : i32
    %add3A = arith.addi %mul3A_0, %arg0 : i32
    %mul3A_1 = arith.constant 512 : i32
    %mul3A_2 = arith.muli %add3A, %mul3A_1 : i32
    %mul3A_3 = arith.constant 26 : i32
    %mul3A_4 = arith.muli %add3A, %mul3A_3 : i32
    %mul3A_5 = arith.constant 512 : i32
    %mul3A_6 = arith.muli %mul3A_4, %mul3A_5 : i32
    %add3A_7 = arith.constant 0 : i32
    %add3A_8 = arith.addi %mul3A_6, %add3A_7 : i32
    "tpu.region"() ({
      %run_scoped3A = tpu.sem_alloc : memref<!tpu.dma_semaphore, #tpu.memory_space<semaphore_mem>>
      %dma_start3A_120 = tpu.memref_slice %arg2[%add3A_8] : memref<425984xi32, #tpu.memory_space<hbm>> -> memref<4608xi32, #tpu.memory_space<hbm>>
      %dma_start3A_121 = tpu.memref_slice %arg2[%add3A_8] : memref<425984xi32, #tpu.memory_space<hbm>> -> memref<4608xi32, #tpu.memory_space<hbm>>
      tpu.enqueue_dma source(%dma_start3A_121 : memref<4608xi32, #tpu.memory_space<hbm>>) target(%arg13 : memref<4608xi32, #tpu.memory_space<vmem>>) target_semaphore(%run_scoped3A : memref<!tpu.dma_semaphore, #tpu.memory_space<semaphore_mem>>)
      %dma_wait3A_122 = tpu.memref_slice %arg2[%add3A_8] : memref<425984xi32, #tpu.memory_space<hbm>> -> memref<4608xi32, #tpu.memory_space<hbm>>
      %dma_wait3A_123 = tpu.memref_slice %arg2[%add3A_8] : memref<425984xi32, #tpu.memory_space<hbm>> -> memref<4608xi32, #tpu.memory_space<hbm>>
      tpu.wait_dma2 semaphore(%run_scoped3A : memref<!tpu.dma_semaphore, #tpu.memory_space<semaphore_mem>>) src(%dma_wait3A_123 : memref<4608xi32, #tpu.memory_space<hbm>>) dst(%arg13 : memref<4608xi32, #tpu.memory_space<vmem>>)
      tpu.yield
    }) : () -> ()
    %dma_start3A = arith.constant 0 : i32
    %dma_start3A_9 = tpu.memref_slice %arg14[%dma_start3A] : memref<4608xf32, #tpu.memory_space<vmem>> -> memref<512xf32, #tpu.memory_space<vmem>>
    %dma_start3A_10 = arith.constant 0 : i32
    %dma_start3A_11 = tpu.memref_slice %arg13[%dma_start3A_10] : memref<4608xi32, #tpu.memory_space<vmem>> -> memref<512xi32, #tpu.memory_space<vmem>>
    %dma_start3A_12 = arith.constant 0 : i32
    %dma_start3A_13 = tpu.memref_slice %arg3[%dma_start3A_12] : memref<100000xf32, #tpu.memory_space<hbm>> -> memref<100000xf32, #tpu.memory_space<hbm>>
    tpu.enqueue_indirect_dma source(%dma_start3A_13 : memref<100000xf32, #tpu.memory_space<hbm>>) target(%dma_start3A_9 : memref<512xf32, #tpu.memory_space<vmem>>) offsets(%dma_start3A_11 : memref<512xi32, #tpu.memory_space<vmem>>) semaphore(%arg17 : memref<!tpu.dma_semaphore, #tpu.memory_space<semaphore_mem>>)
    %dma_start3A_14 = arith.constant 512 : i32
    %dma_start3A_15 = tpu.memref_slice %arg14[%dma_start3A_14] : memref<4608xf32, #tpu.memory_space<vmem>> -> memref<512xf32, #tpu.memory_space<vmem>>
    %dma_start3A_16 = arith.constant 512 : i32
    %dma_start3A_17 = tpu.memref_slice %arg13[%dma_start3A_16] : memref<4608xi32, #tpu.memory_space<vmem>> -> memref<512xi32, #tpu.memory_space<vmem>>
    %dma_start3A_18 = arith.constant 0 : i32
    %dma_start3A_19 = tpu.memref_slice %arg4[%dma_start3A_18] : memref<100000xf32, #tpu.memory_space<hbm>> -> memref<100000xf32, #tpu.memory_space<hbm>>
    tpu.enqueue_indirect_dma source(%dma_start3A_19 : memref<100000xf32, #tpu.memory_space<hbm>>) target(%dma_start3A_15 : memref<512xf32, #tpu.memory_space<vmem>>) offsets(%dma_start3A_17 : memref<512xi32, #tpu.memory_space<vmem>>) semaphore(%arg17 : memref<!tpu.dma_semaphore, #tpu.memory_space<semaphore_mem>>)
    %dma_start3A_20 = arith.constant 1024 : i32
    %dma_start3A_21 = tpu.memref_slice %arg14[%dma_start3A_20] : memref<4608xf32, #tpu.memory_space<vmem>> -> memref<512xf32, #tpu.memory_space<vmem>>
    %dma_start3A_22 = arith.constant 1024 : i32
    %dma_start3A_23 = tpu.memref_slice %arg13[%dma_start3A_22] : memref<4608xi32, #tpu.memory_space<vmem>> -> memref<512xi32, #tpu.memory_space<vmem>>
    %dma_start3A_24 = arith.constant 0 : i32
    %dma_start3A_25 = tpu.memref_slice %arg5[%dma_start3A_24] : memref<100000xf32, #tpu.memory_space<hbm>> -> memref<100000xf32, #tpu.memory_space<hbm>>
    tpu.enqueue_indirect_dma source(%dma_start3A_25 : memref<100000xf32, #tpu.memory_space<hbm>>) target(%dma_start3A_21 : memref<512xf32, #tpu.memory_space<vmem>>) offsets(%dma_start3A_23 : memref<512xi32, #tpu.memory_space<vmem>>) semaphore(%arg17 : memref<!tpu.dma_semaphore, #tpu.memory_space<semaphore_mem>>)
    %dma_start3A_26 = arith.constant 1536 : i32
    %dma_start3A_27 = tpu.memref_slice %arg14[%dma_start3A_26] : memref<4608xf32, #tpu.memory_space<vmem>> -> memref<512xf32, #tpu.memory_space<vmem>>
    %dma_start3A_28 = arith.constant 1536 : i32
    %dma_start3A_29 = tpu.memref_slice %arg13[%dma_start3A_28] : memref<4608xi32, #tpu.memory_space<vmem>> -> memref<512xi32, #tpu.memory_space<vmem>>
    %dma_start3A_30 = arith.constant 0 : i32
    %dma_start3A_31 = tpu.memref_slice %arg6[%dma_start3A_30] : memref<100000xf32, #tpu.memory_space<hbm>> -> memref<100000xf32, #tpu.memory_space<hbm>>
    tpu.enqueue_indirect_dma source(%dma_start3A_31 : memref<100000xf32, #tpu.memory_space<hbm>>) target(%dma_start3A_27 : memref<512xf32, #tpu.memory_space<vmem>>) offsets(%dma_start3A_29 : memref<512xi32, #tpu.memory_space<vmem>>) semaphore(%arg17 : memref<!tpu.dma_semaphore, #tpu.memory_space<semaphore_mem>>)
    %dma_start3A_32 = arith.constant 2048 : i32
    %dma_start3A_33 = tpu.memref_slice %arg14[%dma_start3A_32] : memref<4608xf32, #tpu.memory_space<vmem>> -> memref<512xf32, #tpu.memory_space<vmem>>
    %dma_start3A_34 = arith.constant 2048 : i32
    %dma_start3A_35 = tpu.memref_slice %arg13[%dma_start3A_34] : memref<4608xi32, #tpu.memory_space<vmem>> -> memref<512xi32, #tpu.memory_space<vmem>>
    %dma_start3A_36 = arith.constant 0 : i32
    %dma_start3A_37 = tpu.memref_slice %arg7[%dma_start3A_36] : memref<100000xf32, #tpu.memory_space<hbm>> -> memref<100000xf32, #tpu.memory_space<hbm>>
    tpu.enqueue_indirect_dma source(%dma_start3A_37 : memref<100000xf32, #tpu.memory_space<hbm>>) target(%dma_start3A_33 : memref<512xf32, #tpu.memory_space<vmem>>) offsets(%dma_start3A_35 : memref<512xi32, #tpu.memory_space<vmem>>) semaphore(%arg17 : memref<!tpu.dma_semaphore, #tpu.memory_space<semaphore_mem>>)
    %dma_start3A_38 = arith.constant 2560 : i32
    %dma_start3A_39 = tpu.memref_slice %arg14[%dma_start3A_38] : memref<4608xf32, #tpu.memory_space<vmem>> -> memref<512xf32, #tpu.memory_space<vmem>>
    %dma_start3A_40 = arith.constant 2560 : i32
    %dma_start3A_41 = tpu.memref_slice %arg13[%dma_start3A_40] : memref<4608xi32, #tpu.memory_space<vmem>> -> memref<512xi32, #tpu.memory_space<vmem>>
    %dma_start3A_42 = arith.constant 0 : i32
    %dma_start3A_43 = tpu.memref_slice %arg8[%dma_start3A_42] : memref<100000xf32, #tpu.memory_space<hbm>> -> memref<100000xf32, #tpu.memory_space<hbm>>
    tpu.enqueue_indirect_dma source(%dma_start3A_43 : memref<100000xf32, #tpu.memory_space<hbm>>) target(%dma_start3A_39 : memref<512xf32, #tpu.memory_space<vmem>>) offsets(%dma_start3A_41 : memref<512xi32, #tpu.memory_space<vmem>>) semaphore(%arg17 : memref<!tpu.dma_semaphore, #tpu.memory_space<semaphore_mem>>)
    %dma_start3A_44 = arith.constant 3072 : i32
    %dma_start3A_45 = tpu.memref_slice %arg14[%dma_start3A_44] : memref<4608xf32, #tpu.memory_space<vmem>> -> memref<512xf32, #tpu.memory_space<vmem>>
    %dma_start3A_46 = arith.constant 3072 : i32
    %dma_start3A_47 = tpu.memref_slice %arg13[%dma_start3A_46] : memref<4608xi32, #tpu.memory_space<vmem>> -> memref<512xi32, #tpu.memory_space<vmem>>
    %dma_start3A_48 = arith.constant 0 : i32
    %dma_start3A_49 = tpu.memref_slice %arg9[%dma_start3A_48] : memref<100000xf32, #tpu.memory_space<hbm>> -> memref<100000xf32, #tpu.memory_space<hbm>>
    tpu.enqueue_indirect_dma source(%dma_start3A_49 : memref<100000xf32, #tpu.memory_space<hbm>>) target(%dma_start3A_45 : memref<512xf32, #tpu.memory_space<vmem>>) offsets(%dma_start3A_47 : memref<512xi32, #tpu.memory_space<vmem>>) semaphore(%arg17 : memref<!tpu.dma_semaphore, #tpu.memory_space<semaphore_mem>>)
    %dma_start3A_50 = arith.constant 3584 : i32
    %dma_start3A_51 = tpu.memref_slice %arg14[%dma_start3A_50] : memref<4608xf32, #tpu.memory_space<vmem>> -> memref<512xf32, #tpu.memory_space<vmem>>
    %dma_start3A_52 = arith.constant 3584 : i32
    %dma_start3A_53 = tpu.memref_slice %arg13[%dma_start3A_52] : memref<4608xi32, #tpu.memory_space<vmem>> -> memref<512xi32, #tpu.memory_space<vmem>>
    %dma_start3A_54 = arith.constant 0 : i32
    %dma_start3A_55 = tpu.memref_slice %arg10[%dma_start3A_54] : memref<100000xf32, #tpu.memory_space<hbm>> -> memref<100000xf32, #tpu.memory_space<hbm>>
    tpu.enqueue_indirect_dma source(%dma_start3A_55 : memref<100000xf32, #tpu.memory_space<hbm>>) target(%dma_start3A_51 : memref<512xf32, #tpu.memory_space<vmem>>) offsets(%dma_start3A_53 : memref<512xi32, #tpu.memory_space<vmem>>) semaphore(%arg17 : memref<!tpu.dma_semaphore, #tpu.memory_space<semaphore_mem>>)
    %dma_start3A_56 = arith.constant 4096 : i32
    %dma_start3A_57 = tpu.memref_slice %arg14[%dma_start3A_56] : memref<4608xf32, #tpu.memory_space<vmem>> -> memref<512xf32, #tpu.memory_space<vmem>>
    %dma_start3A_58 = arith.constant 4096 : i32
    %dma_start3A_59 = tpu.memref_slice %arg13[%dma_start3A_58] : memref<4608xi32, #tpu.memory_space<vmem>> -> memref<512xi32, #tpu.memory_space<vmem>>
    %dma_start3A_60 = arith.constant 0 : i32
    %dma_start3A_61 = tpu.memref_slice %arg11[%dma_start3A_60] : memref<100000xf32, #tpu.memory_space<hbm>> -> memref<100000xf32, #tpu.memory_space<hbm>>
    tpu.enqueue_indirect_dma source(%dma_start3A_61 : memref<100000xf32, #tpu.memory_space<hbm>>) target(%dma_start3A_57 : memref<512xf32, #tpu.memory_space<vmem>>) offsets(%dma_start3A_59 : memref<512xi32, #tpu.memory_space<vmem>>) semaphore(%arg17 : memref<!tpu.dma_semaphore, #tpu.memory_space<semaphore_mem>>)
    %dma_wait3A = arith.constant 0 : i32
    %dma_wait3A_62 = tpu.memref_slice %arg14[%dma_wait3A] : memref<4608xf32, #tpu.memory_space<vmem>> -> memref<512xf32, #tpu.memory_space<vmem>>
    %dma_wait3A_63 = arith.constant 0 : i32
    %dma_wait3A_64 = tpu.memref_slice %arg13[%dma_wait3A_63] : memref<4608xi32, #tpu.memory_space<vmem>> -> memref<512xi32, #tpu.memory_space<vmem>>
    %dma_wait3A_65 = arith.constant 0 : i32
    %dma_wait3A_66 = tpu.memref_slice %arg3[%dma_wait3A_65] : memref<100000xf32, #tpu.memory_space<hbm>> -> memref<100000xf32, #tpu.memory_space<hbm>>
    tpu.wait_indirect_dma semaphore(%arg17 : memref<!tpu.dma_semaphore, #tpu.memory_space<semaphore_mem>>) src(%dma_wait3A_66 : memref<100000xf32, #tpu.memory_space<hbm>>) dst(%dma_wait3A_62 : memref<512xf32, #tpu.memory_space<vmem>>)
    %dma_wait3A_67 = arith.constant 512 : i32
    %dma_wait3A_68 = tpu.memref_slice %arg14[%dma_wait3A_67] : memref<4608xf32, #tpu.memory_space<vmem>> -> memref<512xf32, #tpu.memory_space<vmem>>
    %dma_wait3A_69 = arith.constant 512 : i32
    %dma_wait3A_70 = tpu.memref_slice %arg13[%dma_wait3A_69] : memref<4608xi32, #tpu.memory_space<vmem>> -> memref<512xi32, #tpu.memory_space<vmem>>
    %dma_wait3A_71 = arith.constant 0 : i32
    %dma_wait3A_72 = tpu.memref_slice %arg4[%dma_wait3A_71] : memref<100000xf32, #tpu.memory_space<hbm>> -> memref<100000xf32, #tpu.memory_space<hbm>>
    tpu.wait_indirect_dma semaphore(%arg17 : memref<!tpu.dma_semaphore, #tpu.memory_space<semaphore_mem>>) src(%dma_wait3A_72 : memref<100000xf32, #tpu.memory_space<hbm>>) dst(%dma_wait3A_68 : memref<512xf32, #tpu.memory_space<vmem>>)
    %dma_wait3A_73 = arith.constant 1024 : i32
    %dma_wait3A_74 = tpu.memref_slice %arg14[%dma_wait3A_73] : memref<4608xf32, #tpu.memory_space<vmem>> -> memref<512xf32, #tpu.memory_space<vmem>>
    %dma_wait3A_75 = arith.constant 1024 : i32
    %dma_wait3A_76 = tpu.memref_slice %arg13[%dma_wait3A_75] : memref<4608xi32, #tpu.memory_space<vmem>> -> memref<512xi32, #tpu.memory_space<vmem>>
    %dma_wait3A_77 = arith.constant 0 : i32
    %dma_wait3A_78 = tpu.memref_slice %arg5[%dma_wait3A_77] : memref<100000xf32, #tpu.memory_space<hbm>> -> memref<100000xf32, #tpu.memory_space<hbm>>
    tpu.wait_indirect_dma semaphore(%arg17 : memref<!tpu.dma_semaphore, #tpu.memory_space<semaphore_mem>>) src(%dma_wait3A_78 : memref<100000xf32, #tpu.memory_space<hbm>>) dst(%dma_wait3A_74 : memref<512xf32, #tpu.memory_space<vmem>>)
    %dma_wait3A_79 = arith.constant 1536 : i32
    %dma_wait3A_80 = tpu.memref_slice %arg14[%dma_wait3A_79] : memref<4608xf32, #tpu.memory_space<vmem>> -> memref<512xf32, #tpu.memory_space<vmem>>
    %dma_wait3A_81 = arith.constant 1536 : i32
    %dma_wait3A_82 = tpu.memref_slice %arg13[%dma_wait3A_81] : memref<4608xi32, #tpu.memory_space<vmem>> -> memref<512xi32, #tpu.memory_space<vmem>>
    %dma_wait3A_83 = arith.constant 0 : i32
    %dma_wait3A_84 = tpu.memref_slice %arg6[%dma_wait3A_83] : memref<100000xf32, #tpu.memory_space<hbm>> -> memref<100000xf32, #tpu.memory_space<hbm>>
    tpu.wait_indirect_dma semaphore(%arg17 : memref<!tpu.dma_semaphore, #tpu.memory_space<semaphore_mem>>) src(%dma_wait3A_84 : memref<100000xf32, #tpu.memory_space<hbm>>) dst(%dma_wait3A_80 : memref<512xf32, #tpu.memory_space<vmem>>)
    %dma_wait3A_85 = arith.constant 2048 : i32
    %dma_wait3A_86 = tpu.memref_slice %arg14[%dma_wait3A_85] : memref<4608xf32, #tpu.memory_space<vmem>> -> memref<512xf32, #tpu.memory_space<vmem>>
    %dma_wait3A_87 = arith.constant 2048 : i32
    %dma_wait3A_88 = tpu.memref_slice %arg13[%dma_wait3A_87] : memref<4608xi32, #tpu.memory_space<vmem>> -> memref<512xi32, #tpu.memory_space<vmem>>
    %dma_wait3A_89 = arith.constant 0 : i32
    %dma_wait3A_90 = tpu.memref_slice %arg7[%dma_wait3A_89] : memref<100000xf32, #tpu.memory_space<hbm>> -> memref<100000xf32, #tpu.memory_space<hbm>>
    tpu.wait_indirect_dma semaphore(%arg17 : memref<!tpu.dma_semaphore, #tpu.memory_space<semaphore_mem>>) src(%dma_wait3A_90 : memref<100000xf32, #tpu.memory_space<hbm>>) dst(%dma_wait3A_86 : memref<512xf32, #tpu.memory_space<vmem>>)
    %dma_wait3A_91 = arith.constant 2560 : i32
    %dma_wait3A_92 = tpu.memref_slice %arg14[%dma_wait3A_91] : memref<4608xf32, #tpu.memory_space<vmem>> -> memref<512xf32, #tpu.memory_space<vmem>>
    %dma_wait3A_93 = arith.constant 2560 : i32
    %dma_wait3A_94 = tpu.memref_slice %arg13[%dma_wait3A_93] : memref<4608xi32, #tpu.memory_space<vmem>> -> memref<512xi32, #tpu.memory_space<vmem>>
    %dma_wait3A_95 = arith.constant 0 : i32
    %dma_wait3A_96 = tpu.memref_slice %arg8[%dma_wait3A_95] : memref<100000xf32, #tpu.memory_space<hbm>> -> memref<100000xf32, #tpu.memory_space<hbm>>
    tpu.wait_indirect_dma semaphore(%arg17 : memref<!tpu.dma_semaphore, #tpu.memory_space<semaphore_mem>>) src(%dma_wait3A_96 : memref<100000xf32, #tpu.memory_space<hbm>>) dst(%dma_wait3A_92 : memref<512xf32, #tpu.memory_space<vmem>>)
    %dma_wait3A_97 = arith.constant 3072 : i32
    %dma_wait3A_98 = tpu.memref_slice %arg14[%dma_wait3A_97] : memref<4608xf32, #tpu.memory_space<vmem>> -> memref<512xf32, #tpu.memory_space<vmem>>
    %dma_wait3A_99 = arith.constant 3072 : i32
    %dma_wait3A_100 = tpu.memref_slice %arg13[%dma_wait3A_99] : memref<4608xi32, #tpu.memory_space<vmem>> -> memref<512xi32, #tpu.memory_space<vmem>>
    %dma_wait3A_101 = arith.constant 0 : i32
    %dma_wait3A_102 = tpu.memref_slice %arg9[%dma_wait3A_101] : memref<100000xf32, #tpu.memory_space<hbm>> -> memref<100000xf32, #tpu.memory_space<hbm>>
    tpu.wait_indirect_dma semaphore(%arg17 : memref<!tpu.dma_semaphore, #tpu.memory_space<semaphore_mem>>) src(%dma_wait3A_102 : memref<100000xf32, #tpu.memory_space<hbm>>) dst(%dma_wait3A_98 : memref<512xf32, #tpu.memory_space<vmem>>)
    %dma_wait3A_103 = arith.constant 3584 : i32
    %dma_wait3A_104 = tpu.memref_slice %arg14[%dma_wait3A_103] : memref<4608xf32, #tpu.memory_space<vmem>> -> memref<512xf32, #tpu.memory_space<vmem>>
    %dma_wait3A_105 = arith.constant 3584 : i32
    %dma_wait3A_106 = tpu.memref_slice %arg13[%dma_wait3A_105] : memref<4608xi32, #tpu.memory_space<vmem>> -> memref<512xi32, #tpu.memory_space<vmem>>
    %dma_wait3A_107 = arith.constant 0 : i32
    %dma_wait3A_108 = tpu.memref_slice %arg10[%dma_wait3A_107] : memref<100000xf32, #tpu.memory_space<hbm>> -> memref<100000xf32, #tpu.memory_space<hbm>>
    tpu.wait_indirect_dma semaphore(%arg17 : memref<!tpu.dma_semaphore, #tpu.memory_space<semaphore_mem>>) src(%dma_wait3A_108 : memref<100000xf32, #tpu.memory_space<hbm>>) dst(%dma_wait3A_104 : memref<512xf32, #tpu.memory_space<vmem>>)
    %dma_wait3A_109 = arith.constant 4096 : i32
    %dma_wait3A_110 = tpu.memref_slice %arg14[%dma_wait3A_109] : memref<4608xf32, #tpu.memory_space<vmem>> -> memref<512xf32, #tpu.memory_space<vmem>>
    %dma_wait3A_111 = arith.constant 4096 : i32
    %dma_wait3A_112 = tpu.memref_slice %arg13[%dma_wait3A_111] : memref<4608xi32, #tpu.memory_space<vmem>> -> memref<512xi32, #tpu.memory_space<vmem>>
    %dma_wait3A_113 = arith.constant 0 : i32
    %dma_wait3A_114 = tpu.memref_slice %arg11[%dma_wait3A_113] : memref<100000xf32, #tpu.memory_space<hbm>> -> memref<100000xf32, #tpu.memory_space<hbm>>
    tpu.wait_indirect_dma semaphore(%arg17 : memref<!tpu.dma_semaphore, #tpu.memory_space<semaphore_mem>>) src(%dma_wait3A_114 : memref<100000xf32, #tpu.memory_space<hbm>>) dst(%dma_wait3A_110 : memref<512xf32, #tpu.memory_space<vmem>>)
    %scan3A = arith.constant 0 : i32
    %scan3A_115 = arith.constant 0 : i32
    %scan3A_116 = arith.constant 32 : i32
    %scan3A_117 = arith.addi %scan3A_115, %scan3A_116 : i32
    %scan3A_118 = arith.constant 1 : i32
    scf.for %scan3A_120 = %scan3A_115 to %scan3A_117 step %scan3A_118  : i32 {
      %mul3A_121 = arith.constant 16 : i32
      %mul3A_122 = arith.muli %scan3A_120, %mul3A_121 : i32
      %get3A = arith.index_cast %mul3A_122 : i32 to index
      %get3A_123 = tpu.vector_load %arg14[%get3A] {strides = array<i32>} : memref<4608xf32, #tpu.memory_space<vmem>>, vector<16xf32>,
      %add3A_124 = arith.constant 512 : i32
      %add3A_125 = arith.addi %add3A_124, %mul3A_122 : i32
      %get3A_126 = arith.index_cast %add3A_125 : i32 to index
      %get3A_127 = tpu.vector_load %arg14[%get3A_126] {strides = array<i32>} : memref<4608xf32, #tpu.memory_space<vmem>>, vector<16xf32>,
      %add3A_128 = arith.addf %get3A_123, %get3A_127 : vector<16xf32>
      %add3A_129 = arith.constant 1024 : i32
      %add3A_130 = arith.addi %add3A_129, %mul3A_122 : i32
      %get3A_131 = arith.index_cast %add3A_130 : i32 to index
      %get3A_132 = tpu.vector_load %arg14[%get3A_131] {strides = array<i32>} : memref<4608xf32, #tpu.memory_space<vmem>>, vector<16xf32>,
      %add3A_133 = arith.addf %add3A_128, %get3A_132 : vector<16xf32>
      %add3A_134 = arith.constant 1536 : i32
      %add3A_135 = arith.addi %add3A_134, %mul3A_122 : i32
      %get3A_136 = arith.index_cast %add3A_135 : i32 to index
      %get3A_137 = tpu.vector_load %arg14[%get3A_136] {strides = array<i32>} : memref<4608xf32, #tpu.memory_space<vmem>>, vector<16xf32>,
      %add3A_138 = arith.addf %add3A_133, %get3A_137 : vector<16xf32>
      %add3A_139 = arith.constant 2048 : i32
      %add3A_140 = arith.addi %add3A_139, %mul3A_122 : i32
      %get3A_141 = arith.index_cast %add3A_140 : i32 to index
      %get3A_142 = tpu.vector_load %arg14[%get3A_141] {strides = array<i32>} : memref<4608xf32, #tpu.memory_space<vmem>>, vector<16xf32>,
      %add3A_143 = arith.addf %add3A_138, %get3A_142 : vector<16xf32>
      %add3A_144 = arith.constant 2560 : i32
      %add3A_145 = arith.addi %add3A_144, %mul3A_122 : i32
      %get3A_146 = arith.index_cast %add3A_145 : i32 to index
      %get3A_147 = tpu.vector_load %arg14[%get3A_146] {strides = array<i32>} : memref<4608xf32, #tpu.memory_space<vmem>>, vector<16xf32>,
      %add3A_148 = arith.addf %add3A_143, %get3A_147 : vector<16xf32>
      %add3A_149 = arith.constant 3072 : i32
      %add3A_150 = arith.addi %add3A_149, %mul3A_122 : i32
      %get3A_151 = arith.index_cast %add3A_150 : i32 to index
      %get3A_152 = tpu.vector_load %arg14[%get3A_151] {strides = array<i32>} : memref<4608xf32, #tpu.memory_space<vmem>>, vector<16xf32>,
      %add3A_153 = arith.addf %add3A_148, %get3A_152 : vector<16xf32>
      %add3A_154 = arith.constant 3584 : i32
      %add3A_155 = arith.addi %add3A_154, %mul3A_122 : i32
      %get3A_156 = arith.index_cast %add3A_155 : i32 to index
      %get3A_157 = tpu.vector_load %arg14[%get3A_156] {strides = array<i32>} : memref<4608xf32, #tpu.memory_space<vmem>>, vector<16xf32>,
      %add3A_158 = arith.addf %add3A_153, %get3A_157 : vector<16xf32>
      %add3A_159 = arith.constant 4096 : i32
      %add3A_160 = arith.addi %add3A_159, %mul3A_122 : i32
      %get3A_161 = arith.index_cast %add3A_160 : i32 to index
      %get3A_162 = tpu.vector_load %arg14[%get3A_161] {strides = array<i32>} : memref<4608xf32, #tpu.memory_space<vmem>>, vector<16xf32>,
      %add3A_163 = arith.addf %add3A_158, %get3A_162 : vector<16xf32>
      %swap3A = arith.index_cast %mul3A_122 : i32 to index
      %swap3A_164 = tpu.vector_load %arg16[%swap3A] {strides = array<i32>} : memref<512xf32, #tpu.memory_space<vmem>>, vector<16xf32>,
      tpu.vector_store %arg16[%swap3A], %add3A_163 {strides = array<i32>} : memref<512xf32, #tpu.memory_space<vmem>>, vector<16xf32>,
    }
    %scan3A_119 = arith.constant 32 : i32
    "tpu.region"() ({
      %run_scoped3A = tpu.sem_alloc : memref<!tpu.dma_semaphore, #tpu.memory_space<semaphore_mem>>
      %dma_start3A_120 = tpu.memref_slice %arg12[%mul3A_2] : memref<16384xf32, #tpu.memory_space<hbm>> -> memref<512xf32, #tpu.memory_space<hbm>>
      %dma_start3A_121 = tpu.memref_slice %arg12[%mul3A_2] : memref<16384xf32, #tpu.memory_space<hbm>> -> memref<512xf32, #tpu.memory_space<hbm>>
      tpu.enqueue_dma source(%arg16 : memref<512xf32, #tpu.memory_space<vmem>>) target(%dma_start3A_121 : memref<512xf32, #tpu.memory_space<hbm>>) target_semaphore(%run_scoped3A : memref<!tpu.dma_semaphore, #tpu.memory_space<semaphore_mem>>)
      %dma_wait3A_122 = tpu.memref_slice %arg12[%mul3A_2] : memref<16384xf32, #tpu.memory_space<hbm>> -> memref<512xf32, #tpu.memory_space<hbm>>
      %dma_wait3A_123 = tpu.memref_slice %arg12[%mul3A_2] : memref<16384xf32, #tpu.memory_space<hbm>> -> memref<512xf32, #tpu.memory_space<hbm>>
      tpu.wait_dma2 semaphore(%run_scoped3A : memref<!tpu.dma_semaphore, #tpu.memory_space<semaphore_mem>>) src(%arg16 : memref<512xf32, #tpu.memory_space<vmem>>) dst(%dma_wait3A_123 : memref<512xf32, #tpu.memory_space<hbm>>)
      tpu.yield
    }) : () -> ()
    return
  }
}

#map = affine_map<(d0, d1) -> (0)>
module attributes {stable_mosaic.version = 14 : i64} {
  func.func @_sc_group_body(%arg0: i32, %arg1: i32, %arg2: memref<425984xi32, #tpu.memory_space<hbm>>, %arg3: memref<100000xf32, #tpu.memory_space<hbm>>, %arg4: memref<100000xf32, #tpu.memory_space<hbm>>, %arg5: memref<100000xf32, #tpu.memory_space<hbm>>, %arg6: memref<100000xf32, #tpu.memory_space<hbm>>, %arg7: memref<100000xf32, #tpu.memory_space<hbm>>, %arg8: memref<100000xf32, #tpu.memory_space<hbm>>, %arg9: memref<100000xf32, #tpu.memory_space<hbm>>, %arg10: memref<100000xf32, #tpu.memory_space<hbm>>, %arg11: memref<16384xf32, #tpu.memory_space<hbm>>, %arg12: memref<16384xf32, #tpu.memory_space<hbm>>, %arg13: memref<16384xf32, #tpu.memory_space<hbm>>, %arg14: memref<16384xf32, #tpu.memory_space<hbm>>, %arg15: memref<4096xi32, #tpu.memory_space<vmem>>, %arg16: memref<4096xf32, #tpu.memory_space<vmem>>, %arg17: memref<1536xf32, #tpu.memory_space<vmem>>, %arg18: memref<512xf32, #tpu.memory_space<vmem>>, %arg19: memref<!tpu.dma_semaphore, #tpu.memory_space<semaphore_mem>>) attributes {dimension_semantics = [#tpu.dimension_semantics<core_parallel>, #tpu.dimension_semantics<subcore_parallel>], iteration_bounds = array<i64: 2, 16>, scalar_prefetch = 0 : i64, scratch_operands = 5 : i64, tpu.core_type = #tpu.core_type<sc_vector_subcore>, window_params = [{transform_indices = #map}, {transform_indices = #map}, {transform_indices = #map}, {transform_indices = #map}, {transform_indices = #map}, {transform_indices = #map}, {transform_indices = #map}, {transform_indices = #map}, {transform_indices = #map}, {transform_indices = #map}, {transform_indices = #map}, {transform_indices = #map}, {transform_indices = #map}]} {
    %mul3A = arith.constant 2 : i32
    %mul3A_0 = arith.muli %arg1, %mul3A : i32
    %add3A = arith.addi %mul3A_0, %arg0 : i32
    %mul3A_1 = arith.constant 512 : i32
    %mul3A_2 = arith.muli %add3A, %mul3A_1 : i32
    %mul3A_3 = arith.constant 26 : i32
    %mul3A_4 = arith.muli %add3A, %mul3A_3 : i32
    %mul3A_5 = arith.constant 512 : i32
    %mul3A_6 = arith.muli %mul3A_4, %mul3A_5 : i32
    %add3A_7 = arith.constant 9216 : i32
    %add3A_8 = arith.addi %mul3A_6, %add3A_7 : i32
    "tpu.region"() ({
      %run_scoped3A = tpu.sem_alloc : memref<!tpu.dma_semaphore, #tpu.memory_space<semaphore_mem>>
      %dma_start3A_108 = tpu.memref_slice %arg2[%add3A_8] : memref<425984xi32, #tpu.memory_space<hbm>> -> memref<4096xi32, #tpu.memory_space<hbm>>
      %dma_start3A_109 = tpu.memref_slice %arg2[%add3A_8] : memref<425984xi32, #tpu.memory_space<hbm>> -> memref<4096xi32, #tpu.memory_space<hbm>>
      tpu.enqueue_dma source(%dma_start3A_109 : memref<4096xi32, #tpu.memory_space<hbm>>) target(%arg15 : memref<4096xi32, #tpu.memory_space<vmem>>) target_semaphore(%run_scoped3A : memref<!tpu.dma_semaphore, #tpu.memory_space<semaphore_mem>>)
      %dma_wait3A_110 = tpu.memref_slice %arg2[%add3A_8] : memref<425984xi32, #tpu.memory_space<hbm>> -> memref<4096xi32, #tpu.memory_space<hbm>>
      %dma_wait3A_111 = tpu.memref_slice %arg2[%add3A_8] : memref<425984xi32, #tpu.memory_space<hbm>> -> memref<4096xi32, #tpu.memory_space<hbm>>
      tpu.wait_dma2 semaphore(%run_scoped3A : memref<!tpu.dma_semaphore, #tpu.memory_space<semaphore_mem>>) src(%dma_wait3A_111 : memref<4096xi32, #tpu.memory_space<hbm>>) dst(%arg15 : memref<4096xi32, #tpu.memory_space<vmem>>)
      tpu.yield
    }) : () -> ()
    %dma_start3A = arith.constant 0 : i32
    %dma_start3A_9 = tpu.memref_slice %arg16[%dma_start3A] : memref<4096xf32, #tpu.memory_space<vmem>> -> memref<512xf32, #tpu.memory_space<vmem>>
    %dma_start3A_10 = arith.constant 0 : i32
    %dma_start3A_11 = tpu.memref_slice %arg15[%dma_start3A_10] : memref<4096xi32, #tpu.memory_space<vmem>> -> memref<512xi32, #tpu.memory_space<vmem>>
    %dma_start3A_12 = arith.constant 0 : i32
    %dma_start3A_13 = tpu.memref_slice %arg3[%dma_start3A_12] : memref<100000xf32, #tpu.memory_space<hbm>> -> memref<100000xf32, #tpu.memory_space<hbm>>
    tpu.enqueue_indirect_dma source(%dma_start3A_13 : memref<100000xf32, #tpu.memory_space<hbm>>) target(%dma_start3A_9 : memref<512xf32, #tpu.memory_space<vmem>>) offsets(%dma_start3A_11 : memref<512xi32, #tpu.memory_space<vmem>>) semaphore(%arg19 : memref<!tpu.dma_semaphore, #tpu.memory_space<semaphore_mem>>)
    %dma_start3A_14 = arith.constant 512 : i32
    %dma_start3A_15 = tpu.memref_slice %arg16[%dma_start3A_14] : memref<4096xf32, #tpu.memory_space<vmem>> -> memref<512xf32, #tpu.memory_space<vmem>>
    %dma_start3A_16 = arith.constant 512 : i32
    %dma_start3A_17 = tpu.memref_slice %arg15[%dma_start3A_16] : memref<4096xi32, #tpu.memory_space<vmem>> -> memref<512xi32, #tpu.memory_space<vmem>>
    %dma_start3A_18 = arith.constant 0 : i32
    %dma_start3A_19 = tpu.memref_slice %arg4[%dma_start3A_18] : memref<100000xf32, #tpu.memory_space<hbm>> -> memref<100000xf32, #tpu.memory_space<hbm>>
    tpu.enqueue_indirect_dma source(%dma_start3A_19 : memref<100000xf32, #tpu.memory_space<hbm>>) target(%dma_start3A_15 : memref<512xf32, #tpu.memory_space<vmem>>) offsets(%dma_start3A_17 : memref<512xi32, #tpu.memory_space<vmem>>) semaphore(%arg19 : memref<!tpu.dma_semaphore, #tpu.memory_space<semaphore_mem>>)
    %dma_start3A_20 = arith.constant 1024 : i32
    %dma_start3A_21 = tpu.memref_slice %arg16[%dma_start3A_20] : memref<4096xf32, #tpu.memory_space<vmem>> -> memref<512xf32, #tpu.memory_space<vmem>>
    %dma_start3A_22 = arith.constant 1024 : i32
    %dma_start3A_23 = tpu.memref_slice %arg15[%dma_start3A_22] : memref<4096xi32, #tpu.memory_space<vmem>> -> memref<512xi32, #tpu.memory_space<vmem>>
    %dma_start3A_24 = arith.constant 0 : i32
    %dma_start3A_25 = tpu.memref_slice %arg5[%dma_start3A_24] : memref<100000xf32, #tpu.memory_space<hbm>> -> memref<100000xf32, #tpu.memory_space<hbm>>
    tpu.enqueue_indirect_dma source(%dma_start3A_25 : memref<100000xf32, #tpu.memory_space<hbm>>) target(%dma_start3A_21 : memref<512xf32, #tpu.memory_space<vmem>>) offsets(%dma_start3A_23 : memref<512xi32, #tpu.memory_space<vmem>>) semaphore(%arg19 : memref<!tpu.dma_semaphore, #tpu.memory_space<semaphore_mem>>)
    %dma_start3A_26 = arith.constant 1536 : i32
    %dma_start3A_27 = tpu.memref_slice %arg16[%dma_start3A_26] : memref<4096xf32, #tpu.memory_space<vmem>> -> memref<512xf32, #tpu.memory_space<vmem>>
    %dma_start3A_28 = arith.constant 1536 : i32
    %dma_start3A_29 = tpu.memref_slice %arg15[%dma_start3A_28] : memref<4096xi32, #tpu.memory_space<vmem>> -> memref<512xi32, #tpu.memory_space<vmem>>
    %dma_start3A_30 = arith.constant 0 : i32
    %dma_start3A_31 = tpu.memref_slice %arg6[%dma_start3A_30] : memref<100000xf32, #tpu.memory_space<hbm>> -> memref<100000xf32, #tpu.memory_space<hbm>>
    tpu.enqueue_indirect_dma source(%dma_start3A_31 : memref<100000xf32, #tpu.memory_space<hbm>>) target(%dma_start3A_27 : memref<512xf32, #tpu.memory_space<vmem>>) offsets(%dma_start3A_29 : memref<512xi32, #tpu.memory_space<vmem>>) semaphore(%arg19 : memref<!tpu.dma_semaphore, #tpu.memory_space<semaphore_mem>>)
    %dma_start3A_32 = arith.constant 2048 : i32
    %dma_start3A_33 = tpu.memref_slice %arg16[%dma_start3A_32] : memref<4096xf32, #tpu.memory_space<vmem>> -> memref<512xf32, #tpu.memory_space<vmem>>
    %dma_start3A_34 = arith.constant 2048 : i32
    %dma_start3A_35 = tpu.memref_slice %arg15[%dma_start3A_34] : memref<4096xi32, #tpu.memory_space<vmem>> -> memref<512xi32, #tpu.memory_space<vmem>>
    %dma_start3A_36 = arith.constant 0 : i32
    %dma_start3A_37 = tpu.memref_slice %arg7[%dma_start3A_36] : memref<100000xf32, #tpu.memory_space<hbm>> -> memref<100000xf32, #tpu.memory_space<hbm>>
    tpu.enqueue_indirect_dma source(%dma_start3A_37 : memref<100000xf32, #tpu.memory_space<hbm>>) target(%dma_start3A_33 : memref<512xf32, #tpu.memory_space<vmem>>) offsets(%dma_start3A_35 : memref<512xi32, #tpu.memory_space<vmem>>) semaphore(%arg19 : memref<!tpu.dma_semaphore, #tpu.memory_space<semaphore_mem>>)
    %dma_start3A_38 = arith.constant 2560 : i32
    %dma_start3A_39 = tpu.memref_slice %arg16[%dma_start3A_38] : memref<4096xf32, #tpu.memory_space<vmem>> -> memref<512xf32, #tpu.memory_space<vmem>>
    %dma_start3A_40 = arith.constant 2560 : i32
    %dma_start3A_41 = tpu.memref_slice %arg15[%dma_start3A_40] : memref<4096xi32, #tpu.memory_space<vmem>> -> memref<512xi32, #tpu.memory_space<vmem>>
    %dma_start3A_42 = arith.constant 0 : i32
    %dma_start3A_43 = tpu.memref_slice %arg8[%dma_start3A_42] : memref<100000xf32, #tpu.memory_space<hbm>> -> memref<100000xf32, #tpu.memory_space<hbm>>
    tpu.enqueue_indirect_dma source(%dma_start3A_43 : memref<100000xf32, #tpu.memory_space<hbm>>) target(%dma_start3A_39 : memref<512xf32, #tpu.memory_space<vmem>>) offsets(%dma_start3A_41 : memref<512xi32, #tpu.memory_space<vmem>>) semaphore(%arg19 : memref<!tpu.dma_semaphore, #tpu.memory_space<semaphore_mem>>)
    %dma_start3A_44 = arith.constant 3072 : i32
    %dma_start3A_45 = tpu.memref_slice %arg16[%dma_start3A_44] : memref<4096xf32, #tpu.memory_space<vmem>> -> memref<512xf32, #tpu.memory_space<vmem>>
    %dma_start3A_46 = arith.constant 3072 : i32
    %dma_start3A_47 = tpu.memref_slice %arg15[%dma_start3A_46] : memref<4096xi32, #tpu.memory_space<vmem>> -> memref<512xi32, #tpu.memory_space<vmem>>
    %dma_start3A_48 = arith.constant 0 : i32
    %dma_start3A_49 = tpu.memref_slice %arg9[%dma_start3A_48] : memref<100000xf32, #tpu.memory_space<hbm>> -> memref<100000xf32, #tpu.memory_space<hbm>>
    tpu.enqueue_indirect_dma source(%dma_start3A_49 : memref<100000xf32, #tpu.memory_space<hbm>>) target(%dma_start3A_45 : memref<512xf32, #tpu.memory_space<vmem>>) offsets(%dma_start3A_47 : memref<512xi32, #tpu.memory_space<vmem>>) semaphore(%arg19 : memref<!tpu.dma_semaphore, #tpu.memory_space<semaphore_mem>>)
    %dma_start3A_50 = arith.constant 3584 : i32
    %dma_start3A_51 = tpu.memref_slice %arg16[%dma_start3A_50] : memref<4096xf32, #tpu.memory_space<vmem>> -> memref<512xf32, #tpu.memory_space<vmem>>
    %dma_start3A_52 = arith.constant 3584 : i32
    %dma_start3A_53 = tpu.memref_slice %arg15[%dma_start3A_52] : memref<4096xi32, #tpu.memory_space<vmem>> -> memref<512xi32, #tpu.memory_space<vmem>>
    %dma_start3A_54 = arith.constant 0 : i32
    %dma_start3A_55 = tpu.memref_slice %arg10[%dma_start3A_54] : memref<100000xf32, #tpu.memory_space<hbm>> -> memref<100000xf32, #tpu.memory_space<hbm>>
    tpu.enqueue_indirect_dma source(%dma_start3A_55 : memref<100000xf32, #tpu.memory_space<hbm>>) target(%dma_start3A_51 : memref<512xf32, #tpu.memory_space<vmem>>) offsets(%dma_start3A_53 : memref<512xi32, #tpu.memory_space<vmem>>) semaphore(%arg19 : memref<!tpu.dma_semaphore, #tpu.memory_space<semaphore_mem>>)
    "tpu.region"() ({
      %run_scoped3A = tpu.sem_alloc : memref<!tpu.dma_semaphore, #tpu.memory_space<semaphore_mem>>
      %dma_start3A_108 = arith.constant 0 : i32
      %dma_start3A_109 = tpu.memref_slice %arg17[%dma_start3A_108] : memref<1536xf32, #tpu.memory_space<vmem>> -> memref<512xf32, #tpu.memory_space<vmem>>
      %dma_start3A_110 = tpu.memref_slice %arg11[%mul3A_2] : memref<16384xf32, #tpu.memory_space<hbm>> -> memref<512xf32, #tpu.memory_space<hbm>>
      %dma_start3A_111 = arith.constant 0 : i32
      %dma_start3A_112 = tpu.memref_slice %arg17[%dma_start3A_111] : memref<1536xf32, #tpu.memory_space<vmem>> -> memref<512xf32, #tpu.memory_space<vmem>>
      %dma_start3A_113 = tpu.memref_slice %arg11[%mul3A_2] : memref<16384xf32, #tpu.memory_space<hbm>> -> memref<512xf32, #tpu.memory_space<hbm>>
      tpu.enqueue_dma source(%dma_start3A_113 : memref<512xf32, #tpu.memory_space<hbm>>) target(%dma_start3A_112 : memref<512xf32, #tpu.memory_space<vmem>>) target_semaphore(%run_scoped3A : memref<!tpu.dma_semaphore, #tpu.memory_space<semaphore_mem>>)
      %dma_wait3A_114 = arith.constant 0 : i32
      %dma_wait3A_115 = tpu.memref_slice %arg17[%dma_wait3A_114] : memref<1536xf32, #tpu.memory_space<vmem>> -> memref<512xf32, #tpu.memory_space<vmem>>
      %dma_wait3A_116 = tpu.memref_slice %arg11[%mul3A_2] : memref<16384xf32, #tpu.memory_space<hbm>> -> memref<512xf32, #tpu.memory_space<hbm>>
      %dma_wait3A_117 = arith.constant 0 : i32
      %dma_wait3A_118 = tpu.memref_slice %arg17[%dma_wait3A_117] : memref<1536xf32, #tpu.memory_space<vmem>> -> memref<512xf32, #tpu.memory_space<vmem>>
      %dma_wait3A_119 = tpu.memref_slice %arg11[%mul3A_2] : memref<16384xf32, #tpu.memory_space<hbm>> -> memref<512xf32, #tpu.memory_space<hbm>>
      tpu.wait_dma2 semaphore(%run_scoped3A : memref<!tpu.dma_semaphore, #tpu.memory_space<semaphore_mem>>) src(%dma_wait3A_119 : memref<512xf32, #tpu.memory_space<hbm>>) dst(%dma_wait3A_118 : memref<512xf32, #tpu.memory_space<vmem>>)
      tpu.yield
    }) : () -> ()
    "tpu.region"() ({
      %run_scoped3A = tpu.sem_alloc : memref<!tpu.dma_semaphore, #tpu.memory_space<semaphore_mem>>
      %dma_start3A_108 = arith.constant 512 : i32
      %dma_start3A_109 = tpu.memref_slice %arg17[%dma_start3A_108] : memref<1536xf32, #tpu.memory_space<vmem>> -> memref<512xf32, #tpu.memory_space<vmem>>
      %dma_start3A_110 = tpu.memref_slice %arg12[%mul3A_2] : memref<16384xf32, #tpu.memory_space<hbm>> -> memref<512xf32, #tpu.memory_space<hbm>>
      %dma_start3A_111 = arith.constant 512 : i32
      %dma_start3A_112 = tpu.memref_slice %arg17[%dma_start3A_111] : memref<1536xf32, #tpu.memory_space<vmem>> -> memref<512xf32, #tpu.memory_space<vmem>>
      %dma_start3A_113 = tpu.memref_slice %arg12[%mul3A_2] : memref<16384xf32, #tpu.memory_space<hbm>> -> memref<512xf32, #tpu.memory_space<hbm>>
      tpu.enqueue_dma source(%dma_start3A_113 : memref<512xf32, #tpu.memory_space<hbm>>) target(%dma_start3A_112 : memref<512xf32, #tpu.memory_space<vmem>>) target_semaphore(%run_scoped3A : memref<!tpu.dma_semaphore, #tpu.memory_space<semaphore_mem>>)
      %dma_wait3A_114 = arith.constant 512 : i32
      %dma_wait3A_115 = tpu.memref_slice %arg17[%dma_wait3A_114] : memref<1536xf32, #tpu.memory_space<vmem>> -> memref<512xf32, #tpu.memory_space<vmem>>
      %dma_wait3A_116 = tpu.memref_slice %arg12[%mul3A_2] : memref<16384xf32, #tpu.memory_space<hbm>> -> memref<512xf32, #tpu.memory_space<hbm>>
      %dma_wait3A_117 = arith.constant 512 : i32
      %dma_wait3A_118 = tpu.memref_slice %arg17[%dma_wait3A_117] : memref<1536xf32, #tpu.memory_space<vmem>> -> memref<512xf32, #tpu.memory_space<vmem>>
      %dma_wait3A_119 = tpu.memref_slice %arg12[%mul3A_2] : memref<16384xf32, #tpu.memory_space<hbm>> -> memref<512xf32, #tpu.memory_space<hbm>>
      tpu.wait_dma2 semaphore(%run_scoped3A : memref<!tpu.dma_semaphore, #tpu.memory_space<semaphore_mem>>) src(%dma_wait3A_119 : memref<512xf32, #tpu.memory_space<hbm>>) dst(%dma_wait3A_118 : memref<512xf32, #tpu.memory_space<vmem>>)
      tpu.yield
    }) : () -> ()
    "tpu.region"() ({
      %run_scoped3A = tpu.sem_alloc : memref<!tpu.dma_semaphore, #tpu.memory_space<semaphore_mem>>
      %dma_start3A_108 = arith.constant 1024 : i32
      %dma_start3A_109 = tpu.memref_slice %arg17[%dma_start3A_108] : memref<1536xf32, #tpu.memory_space<vmem>> -> memref<512xf32, #tpu.memory_space<vmem>>
      %dma_start3A_110 = tpu.memref_slice %arg13[%mul3A_2] : memref<16384xf32, #tpu.memory_space<hbm>> -> memref<512xf32, #tpu.memory_space<hbm>>
      %dma_start3A_111 = arith.constant 1024 : i32
      %dma_start3A_112 = tpu.memref_slice %arg17[%dma_start3A_111] : memref<1536xf32, #tpu.memory_space<vmem>> -> memref<512xf32, #tpu.memory_space<vmem>>
      %dma_start3A_113 = tpu.memref_slice %arg13[%mul3A_2] : memref<16384xf32, #tpu.memory_space<hbm>> -> memref<512xf32, #tpu.memory_space<hbm>>
      tpu.enqueue_dma source(%dma_start3A_113 : memref<512xf32, #tpu.memory_space<hbm>>) target(%dma_start3A_112 : memref<512xf32, #tpu.memory_space<vmem>>) target_semaphore(%run_scoped3A : memref<!tpu.dma_semaphore, #tpu.memory_space<semaphore_mem>>)
      %dma_wait3A_114 = arith.constant 1024 : i32
      %dma_wait3A_115 = tpu.memref_slice %arg17[%dma_wait3A_114] : memref<1536xf32, #tpu.memory_space<vmem>> -> memref<512xf32, #tpu.memory_space<vmem>>
      %dma_wait3A_116 = tpu.memref_slice %arg13[%mul3A_2] : memref<16384xf32, #tpu.memory_space<hbm>> -> memref<512xf32, #tpu.memory_space<hbm>>
      %dma_wait3A_117 = arith.constant 1024 : i32
      %dma_wait3A_118 = tpu.memref_slice %arg17[%dma_wait3A_117] : memref<1536xf32, #tpu.memory_space<vmem>> -> memref<512xf32, #tpu.memory_space<vmem>>
      %dma_wait3A_119 = tpu.memref_slice %arg13[%mul3A_2] : memref<16384xf32, #tpu.memory_space<hbm>> -> memref<512xf32, #tpu.memory_space<hbm>>
      tpu.wait_dma2 semaphore(%run_scoped3A : memref<!tpu.dma_semaphore, #tpu.memory_space<semaphore_mem>>) src(%dma_wait3A_119 : memref<512xf32, #tpu.memory_space<hbm>>) dst(%dma_wait3A_118 : memref<512xf32, #tpu.memory_space<vmem>>)
      tpu.yield
    }) : () -> ()
    %dma_wait3A = arith.constant 0 : i32
    %dma_wait3A_56 = tpu.memref_slice %arg16[%dma_wait3A] : memref<4096xf32, #tpu.memory_space<vmem>> -> memref<512xf32, #tpu.memory_space<vmem>>
    %dma_wait3A_57 = arith.constant 0 : i32
    %dma_wait3A_58 = tpu.memref_slice %arg15[%dma_wait3A_57] : memref<4096xi32, #tpu.memory_space<vmem>> -> memref<512xi32, #tpu.memory_space<vmem>>
    %dma_wait3A_59 = arith.constant 0 : i32
    %dma_wait3A_60 = tpu.memref_slice %arg3[%dma_wait3A_59] : memref<100000xf32, #tpu.memory_space<hbm>> -> memref<100000xf32, #tpu.memory_space<hbm>>
    tpu.wait_indirect_dma semaphore(%arg19 : memref<!tpu.dma_semaphore, #tpu.memory_space<semaphore_mem>>) src(%dma_wait3A_60 : memref<100000xf32, #tpu.memory_space<hbm>>) dst(%dma_wait3A_56 : memref<512xf32, #tpu.memory_space<vmem>>)
    %dma_wait3A_61 = arith.constant 512 : i32
    %dma_wait3A_62 = tpu.memref_slice %arg16[%dma_wait3A_61] : memref<4096xf32, #tpu.memory_space<vmem>> -> memref<512xf32, #tpu.memory_space<vmem>>
    %dma_wait3A_63 = arith.constant 512 : i32
    %dma_wait3A_64 = tpu.memref_slice %arg15[%dma_wait3A_63] : memref<4096xi32, #tpu.memory_space<vmem>> -> memref<512xi32, #tpu.memory_space<vmem>>
    %dma_wait3A_65 = arith.constant 0 : i32
    %dma_wait3A_66 = tpu.memref_slice %arg4[%dma_wait3A_65] : memref<100000xf32, #tpu.memory_space<hbm>> -> memref<100000xf32, #tpu.memory_space<hbm>>
    tpu.wait_indirect_dma semaphore(%arg19 : memref<!tpu.dma_semaphore, #tpu.memory_space<semaphore_mem>>) src(%dma_wait3A_66 : memref<100000xf32, #tpu.memory_space<hbm>>) dst(%dma_wait3A_62 : memref<512xf32, #tpu.memory_space<vmem>>)
    %dma_wait3A_67 = arith.constant 1024 : i32
    %dma_wait3A_68 = tpu.memref_slice %arg16[%dma_wait3A_67] : memref<4096xf32, #tpu.memory_space<vmem>> -> memref<512xf32, #tpu.memory_space<vmem>>
    %dma_wait3A_69 = arith.constant 1024 : i32
    %dma_wait3A_70 = tpu.memref_slice %arg15[%dma_wait3A_69] : memref<4096xi32, #tpu.memory_space<vmem>> -> memref<512xi32, #tpu.memory_space<vmem>>
    %dma_wait3A_71 = arith.constant 0 : i32
    %dma_wait3A_72 = tpu.memref_slice %arg5[%dma_wait3A_71] : memref<100000xf32, #tpu.memory_space<hbm>> -> memref<100000xf32, #tpu.memory_space<hbm>>
    tpu.wait_indirect_dma semaphore(%arg19 : memref<!tpu.dma_semaphore, #tpu.memory_space<semaphore_mem>>) src(%dma_wait3A_72 : memref<100000xf32, #tpu.memory_space<hbm>>) dst(%dma_wait3A_68 : memref<512xf32, #tpu.memory_space<vmem>>)
    %dma_wait3A_73 = arith.constant 1536 : i32
    %dma_wait3A_74 = tpu.memref_slice %arg16[%dma_wait3A_73] : memref<4096xf32, #tpu.memory_space<vmem>> -> memref<512xf32, #tpu.memory_space<vmem>>
    %dma_wait3A_75 = arith.constant 1536 : i32
    %dma_wait3A_76 = tpu.memref_slice %arg15[%dma_wait3A_75] : memref<4096xi32, #tpu.memory_space<vmem>> -> memref<512xi32, #tpu.memory_space<vmem>>
    %dma_wait3A_77 = arith.constant 0 : i32
    %dma_wait3A_78 = tpu.memref_slice %arg6[%dma_wait3A_77] : memref<100000xf32, #tpu.memory_space<hbm>> -> memref<100000xf32, #tpu.memory_space<hbm>>
    tpu.wait_indirect_dma semaphore(%arg19 : memref<!tpu.dma_semaphore, #tpu.memory_space<semaphore_mem>>) src(%dma_wait3A_78 : memref<100000xf32, #tpu.memory_space<hbm>>) dst(%dma_wait3A_74 : memref<512xf32, #tpu.memory_space<vmem>>)
    %dma_wait3A_79 = arith.constant 2048 : i32
    %dma_wait3A_80 = tpu.memref_slice %arg16[%dma_wait3A_79] : memref<4096xf32, #tpu.memory_space<vmem>> -> memref<512xf32, #tpu.memory_space<vmem>>
    %dma_wait3A_81 = arith.constant 2048 : i32
    %dma_wait3A_82 = tpu.memref_slice %arg15[%dma_wait3A_81] : memref<4096xi32, #tpu.memory_space<vmem>> -> memref<512xi32, #tpu.memory_space<vmem>>
    %dma_wait3A_83 = arith.constant 0 : i32
    %dma_wait3A_84 = tpu.memref_slice %arg7[%dma_wait3A_83] : memref<100000xf32, #tpu.memory_space<hbm>> -> memref<100000xf32, #tpu.memory_space<hbm>>
    tpu.wait_indirect_dma semaphore(%arg19 : memref<!tpu.dma_semaphore, #tpu.memory_space<semaphore_mem>>) src(%dma_wait3A_84 : memref<100000xf32, #tpu.memory_space<hbm>>) dst(%dma_wait3A_80 : memref<512xf32, #tpu.memory_space<vmem>>)
    %dma_wait3A_85 = arith.constant 2560 : i32
    %dma_wait3A_86 = tpu.memref_slice %arg16[%dma_wait3A_85] : memref<4096xf32, #tpu.memory_space<vmem>> -> memref<512xf32, #tpu.memory_space<vmem>>
    %dma_wait3A_87 = arith.constant 2560 : i32
    %dma_wait3A_88 = tpu.memref_slice %arg15[%dma_wait3A_87] : memref<4096xi32, #tpu.memory_space<vmem>> -> memref<512xi32, #tpu.memory_space<vmem>>
    %dma_wait3A_89 = arith.constant 0 : i32
    %dma_wait3A_90 = tpu.memref_slice %arg8[%dma_wait3A_89] : memref<100000xf32, #tpu.memory_space<hbm>> -> memref<100000xf32, #tpu.memory_space<hbm>>
    tpu.wait_indirect_dma semaphore(%arg19 : memref<!tpu.dma_semaphore, #tpu.memory_space<semaphore_mem>>) src(%dma_wait3A_90 : memref<100000xf32, #tpu.memory_space<hbm>>) dst(%dma_wait3A_86 : memref<512xf32, #tpu.memory_space<vmem>>)
    %dma_wait3A_91 = arith.constant 3072 : i32
    %dma_wait3A_92 = tpu.memref_slice %arg16[%dma_wait3A_91] : memref<4096xf32, #tpu.memory_space<vmem>> -> memref<512xf32, #tpu.memory_space<vmem>>
    %dma_wait3A_93 = arith.constant 3072 : i32
    %dma_wait3A_94 = tpu.memref_slice %arg15[%dma_wait3A_93] : memref<4096xi32, #tpu.memory_space<vmem>> -> memref<512xi32, #tpu.memory_space<vmem>>
    %dma_wait3A_95 = arith.constant 0 : i32
    %dma_wait3A_96 = tpu.memref_slice %arg9[%dma_wait3A_95] : memref<100000xf32, #tpu.memory_space<hbm>> -> memref<100000xf32, #tpu.memory_space<hbm>>
    tpu.wait_indirect_dma semaphore(%arg19 : memref<!tpu.dma_semaphore, #tpu.memory_space<semaphore_mem>>) src(%dma_wait3A_96 : memref<100000xf32, #tpu.memory_space<hbm>>) dst(%dma_wait3A_92 : memref<512xf32, #tpu.memory_space<vmem>>)
    %dma_wait3A_97 = arith.constant 3584 : i32
    %dma_wait3A_98 = tpu.memref_slice %arg16[%dma_wait3A_97] : memref<4096xf32, #tpu.memory_space<vmem>> -> memref<512xf32, #tpu.memory_space<vmem>>
    %dma_wait3A_99 = arith.constant 3584 : i32
    %dma_wait3A_100 = tpu.memref_slice %arg15[%dma_wait3A_99] : memref<4096xi32, #tpu.memory_space<vmem>> -> memref<512xi32, #tpu.memory_space<vmem>>
    %dma_wait3A_101 = arith.constant 0 : i32
    %dma_wait3A_102 = tpu.memref_slice %arg10[%dma_wait3A_101] : memref<100000xf32, #tpu.memory_space<hbm>> -> memref<100000xf32, #tpu.memory_space<hbm>>
    tpu.wait_indirect_dma semaphore(%arg19 : memref<!tpu.dma_semaphore, #tpu.memory_space<semaphore_mem>>) src(%dma_wait3A_102 : memref<100000xf32, #tpu.memory_space<hbm>>) dst(%dma_wait3A_98 : memref<512xf32, #tpu.memory_space<vmem>>)
    %scan3A = arith.constant 0 : i32
    %scan3A_103 = arith.constant 0 : i32
    %scan3A_104 = arith.constant 32 : i32
    %scan3A_105 = arith.addi %scan3A_103, %scan3A_104 : i32
    %scan3A_106 = arith.constant 1 : i32
    scf.for %scan3A_108 = %scan3A_103 to %scan3A_105 step %scan3A_106  : i32 {
      %mul3A_109 = arith.constant 16 : i32
      %mul3A_110 = arith.muli %scan3A_108, %mul3A_109 : i32
      %get3A = arith.index_cast %mul3A_110 : i32 to index
      %get3A_111 = tpu.vector_load %arg16[%get3A] {strides = array<i32>} : memref<4096xf32, #tpu.memory_space<vmem>>, vector<16xf32>,
      %add3A_112 = arith.constant 512 : i32
      %add3A_113 = arith.addi %add3A_112, %mul3A_110 : i32
      %get3A_114 = arith.index_cast %add3A_113 : i32 to index
      %get3A_115 = tpu.vector_load %arg16[%get3A_114] {strides = array<i32>} : memref<4096xf32, #tpu.memory_space<vmem>>, vector<16xf32>,
      %add3A_116 = arith.addf %get3A_111, %get3A_115 : vector<16xf32>
      %add3A_117 = arith.constant 1024 : i32
      %add3A_118 = arith.addi %add3A_117, %mul3A_110 : i32
      %get3A_119 = arith.index_cast %add3A_118 : i32 to index
      %get3A_120 = tpu.vector_load %arg16[%get3A_119] {strides = array<i32>} : memref<4096xf32, #tpu.memory_space<vmem>>, vector<16xf32>,
      %add3A_121 = arith.addf %add3A_116, %get3A_120 : vector<16xf32>
      %add3A_122 = arith.constant 1536 : i32
      %add3A_123 = arith.addi %add3A_122, %mul3A_110 : i32
      %get3A_124 = arith.index_cast %add3A_123 : i32 to index
      %get3A_125 = tpu.vector_load %arg16[%get3A_124] {strides = array<i32>} : memref<4096xf32, #tpu.memory_space<vmem>>, vector<16xf32>,
      %add3A_126 = arith.addf %add3A_121, %get3A_125 : vector<16xf32>
      %add3A_127 = arith.constant 2048 : i32
      %add3A_128 = arith.addi %add3A_127, %mul3A_110 : i32
      %get3A_129 = arith.index_cast %add3A_128 : i32 to index
      %get3A_130 = tpu.vector_load %arg16[%get3A_129] {strides = array<i32>} : memref<4096xf32, #tpu.memory_space<vmem>>, vector<16xf32>,
      %add3A_131 = arith.addf %add3A_126, %get3A_130 : vector<16xf32>
      %add3A_132 = arith.constant 2560 : i32
      %add3A_133 = arith.addi %add3A_132, %mul3A_110 : i32
      %get3A_134 = arith.index_cast %add3A_133 : i32 to index
      %get3A_135 = tpu.vector_load %arg16[%get3A_134] {strides = array<i32>} : memref<4096xf32, #tpu.memory_space<vmem>>, vector<16xf32>,
      %add3A_136 = arith.addf %add3A_131, %get3A_135 : vector<16xf32>
      %add3A_137 = arith.constant 3072 : i32
      %add3A_138 = arith.addi %add3A_137, %mul3A_110 : i32
      %get3A_139 = arith.index_cast %add3A_138 : i32 to index
      %get3A_140 = tpu.vector_load %arg16[%get3A_139] {strides = array<i32>} : memref<4096xf32, #tpu.memory_space<vmem>>, vector<16xf32>,
      %add3A_141 = arith.addf %add3A_136, %get3A_140 : vector<16xf32>
      %add3A_142 = arith.constant 3584 : i32
      %add3A_143 = arith.addi %add3A_142, %mul3A_110 : i32
      %get3A_144 = arith.index_cast %add3A_143 : i32 to index
      %get3A_145 = tpu.vector_load %arg16[%get3A_144] {strides = array<i32>} : memref<4096xf32, #tpu.memory_space<vmem>>, vector<16xf32>,
      %add3A_146 = arith.addf %add3A_141, %get3A_145 : vector<16xf32>
      %add3A_147 = arith.constant 0 : i32
      %add3A_148 = arith.addi %add3A_147, %mul3A_110 : i32
      %get3A_149 = arith.index_cast %add3A_148 : i32 to index
      %get3A_150 = tpu.vector_load %arg17[%get3A_149] {strides = array<i32>} : memref<1536xf32, #tpu.memory_space<vmem>>, vector<16xf32>,
      %add3A_151 = arith.addf %add3A_146, %get3A_150 : vector<16xf32>
      %add3A_152 = arith.constant 512 : i32
      %add3A_153 = arith.addi %add3A_152, %mul3A_110 : i32
      %get3A_154 = arith.index_cast %add3A_153 : i32 to index
      %get3A_155 = tpu.vector_load %arg17[%get3A_154] {strides = array<i32>} : memref<1536xf32, #tpu.memory_space<vmem>>, vector<16xf32>,
      %add3A_156 = arith.addf %add3A_151, %get3A_155 : vector<16xf32>
      %add3A_157 = arith.constant 1024 : i32
      %add3A_158 = arith.addi %add3A_157, %mul3A_110 : i32
      %get3A_159 = arith.index_cast %add3A_158 : i32 to index
      %get3A_160 = tpu.vector_load %arg17[%get3A_159] {strides = array<i32>} : memref<1536xf32, #tpu.memory_space<vmem>>, vector<16xf32>,
      %add3A_161 = arith.addf %add3A_156, %get3A_160 : vector<16xf32>
      %swap3A = arith.index_cast %mul3A_110 : i32 to index
      %swap3A_162 = tpu.vector_load %arg18[%swap3A] {strides = array<i32>} : memref<512xf32, #tpu.memory_space<vmem>>, vector<16xf32>,
      tpu.vector_store %arg18[%swap3A], %add3A_161 {strides = array<i32>} : memref<512xf32, #tpu.memory_space<vmem>>, vector<16xf32>,
    }
    %scan3A_107 = arith.constant 32 : i32
    "tpu.region"() ({
      %run_scoped3A = tpu.sem_alloc : memref<!tpu.dma_semaphore, #tpu.memory_space<semaphore_mem>>
      %dma_start3A_108 = tpu.memref_slice %arg14[%mul3A_2] : memref<16384xf32, #tpu.memory_space<hbm>> -> memref<512xf32, #tpu.memory_space<hbm>>
      %dma_start3A_109 = tpu.memref_slice %arg14[%mul3A_2] : memref<16384xf32, #tpu.memory_space<hbm>> -> memref<512xf32, #tpu.memory_space<hbm>>
      tpu.enqueue_dma source(%arg18 : memref<512xf32, #tpu.memory_space<vmem>>) target(%dma_start3A_109 : memref<512xf32, #tpu.memory_space<hbm>>) target_semaphore(%run_scoped3A : memref<!tpu.dma_semaphore, #tpu.memory_space<semaphore_mem>>)
      %dma_wait3A_110 = tpu.memref_slice %arg14[%mul3A_2] : memref<16384xf32, #tpu.memory_space<hbm>> -> memref<512xf32, #tpu.memory_space<hbm>>
      %dma_wait3A_111 = tpu.memref_slice %arg14[%mul3A_2] : memref<16384xf32, #tpu.memory_space<hbm>> -> memref<512xf32, #tpu.memory_space<hbm>>
      tpu.wait_dma2 semaphore(%run_scoped3A : memref<!tpu.dma_semaphore, #tpu.memory_space<semaphore_mem>>) src(%arg18 : memref<512xf32, #tpu.memory_space<vmem>>) dst(%dma_wait3A_111 : memref<512xf32, #tpu.memory_space<hbm>>)
      tpu.yield
    }) : () -> ()
    return
  }
}

module attributes {stable_mosaic.version = 14 : i64} {
  func.func @_dense_body(%arg0: memref<13x16384xf32, #tpu.memory_space<vmem>>, %arg1: memref<13x1xf32, #tpu.memory_space<vmem>>, %arg2: memref<16384xf32, #tpu.memory_space<vmem>>) attributes {dimension_semantics = [], scalar_prefetch = 0 : i64, scratch_operands = 0 : i64, tpu.core_type = #tpu.core_type<tc>} {
    %get3A = arith.constant 0 : index
    %get3A_0 = arith.constant 0 : index
    %get3A_1 = vector.load %arg0[%get3A, %get3A_0] : memref<13x16384xf32, #tpu.memory_space<vmem>>, vector<13x16384xf32>
    %get3A_2 = arith.constant 0 : index
    %get3A_3 = arith.constant 0 : index
    %get3A_4 = vector.load %arg1[%get3A_2, %get3A_3] : memref<13x1xf32, #tpu.memory_space<vmem>>, vector<13x1xf32>
    %mul3A = vector.broadcast %get3A_4 : vector<13x1xf32> to vector<13x16384xf32>
    %mul3A_5 = arith.mulf %get3A_1, %mul3A : vector<13x16384xf32>
    %reduce_sum3A = arith.constant dense<0.000000e+00> : vector<16384xf32>
    %reduce_sum3A_6 = vector.multi_reduction <add>, %mul3A_5, %reduce_sum3A [0] : vector<13x16384xf32> to vector<16384xf32>
    %swap3A = arith.constant 0 : index
    %swap3A_7 = vector.load %arg2[%swap3A] : memref<16384xf32, #tpu.memory_space<vmem>>, vector<16384xf32>
    tpu.vector_store %arg2[%swap3A], %reduce_sum3A_6 {strides = array<i32>} : memref<16384xf32, #tpu.memory_space<vmem>>, vector<16384xf32>,
    return
  }
}

</mosaic_0001>

<sc_bundles>
// kernel: kernel.12.cloned.1.call-start
scs
__scs_entry_jumppad:
0x0: {  	(pc) =	sbr.rel $0x88, $3  }
0x1: {  	(tag) =	ssettag $0x0;
	lr =	simm.s32 $0x1  }
0x2: {  	[smem:$0x3F9D] =	sst lr;
	_ =	strace $0xD0000000  }
0x3: {  	_ = 	snop  }
0x4: {  	_ = 	snop  }
0x5: {  	_ = 	snop  }
0x6: {  	_ = 	snop  }
0x7: {  	_ = 	snop  }
__scs_overlays_trampoline_lowered:
0x8: {  	[smem:$0x3FAC] =	sst s0  }
0x9: {  	[smem:$0x3FAD] =	sst s1  }
0xa: {  	[smem:$0x3FAE] =	sst s2  }
0xb: {  	[smem:$0x3FAF] =	sst s3  }
0xc: {  	[smem:$0x3FB0] =	sst s4  }
0xd: {  	[smem:$0x3FB1] =	sst s5  }
0xe: {  	[smem:$0x3FB2] =	sst s6  }
0xf: {  	[smem:$0x3FB3] =	sst s7  }
0x10: {  	[smem:$0x3FB4] =	sst s8  }
0x11: {  	[smem:$0x3FB5] =	sst s9;
	s0 =	simm.s32 @!p0 $0x0  }
0x12: {  	s1 =	sld [smem:$0x3F9B];
	s0 =	simm.s32 @p0 $0x1  }
0x13: {  	[smem:$0x3FB6] =	sst s0;
	s0 =	simm.s32 @!p1 $0x0  }
0x14: {  	s2 =	sld [smem:$0x3F9A];
	s0 =	simm.s32 @p1 $0x1  }
0x15: {  	[smem:$0x3FB7] =	sst s0;
	s0 =	simm.s32 @!p2 $0x0  }
0x16: {  	s3 =	sld [smem:$0x3FDB];
	s0 =	simm.s32 @p2 $0x1  }
0x17: {  	s4 =	simm.s32 $0x1BF5;
	[smem:$0x3FB9] =	sst s0  }
0x18: {  	s0 =	sld [smem:$0x3F9C];
	_ =	swait.ge [sflag:s4], $0x0  }
0x19: {  	s7 =	sld [smem:$0x3F9D]  }
0x1a: {  	s8 =	sadd.s32 $0xFFFFE003, lr  }
0x1b: {  	s9 =	sadd.s32 $0xFFFFFEF7, lr;
	s5 =	simm.s32 $0xFFFFFFFF;
	p2 =	slt.u32 s8, $0xFFFFF086  }
0x1c: {  	p1 =	slt.u32 s9, $0xF7A;
	s5 =	simm.s32 @!p2 $0x0  }
0x1d: {  	s5 =	simm.s32 @p1 $0x1;
	p0 =	seq.s32 s7, s2  }
0x1e: {  	s7 =	smul.u32 @!p0 $0xF7A, s2;
	p2 =	seq.s32 @!p0 s5, $0x0  }
0x1f: {  	s9 =	smul.u32 $0xF7A, s1;
	s8 =	simm.s32 @!p0 $0x1BF5;
	p2 =	por !p2, p0  }
0x20: {  	[sflag:s8] =	ssyncset.s32 @!p0 $0xFFFFF086;
	s6 =	sadd.s32 @!p0 s3, s7;
	s7 =	simm.s32 @!p0 $0x108  }
0x21: {  	s3 =	sadd.s32 s3, s9;
	s6 =	sadd.s32 @!p0 $0x88, s6;
	s7 =	simm.s32 @p2 $0x1082  }
0x22: {  	[simem:s7], [sflag:s8] =	dma.local @!p0 [hbm:s6], $0xF7A  }
0x23: {  	s9 =	sor.u32 $0xD0000000, s2;
	s6 =	simm.s32 $0x108;
	_ =	swait.ge @!p0 [sflag:s8], $0x0  }
0x24: {  	s3 =	sadd.s32 $0x88, s3;
	s6 =	simm.s32 @!p1 $0x1082;
	[sflag:s4] =	ssyncset.s32 $0xFFFFF086  }
0x25: {  	[simem:s6], [sflag:s4] =	dma.local [hbm:s3], $0xF7A  }
0x26: {  	[smem:$0x3F9D] =	sst s1;
	(tag) =	ssettag s2;
	_ =	strace s9  }
0x27: {  	s1 =	sld [smem:$0x3FAD]  }
0x28: {  	s2 =	sld [smem:$0x3FAE]  }
0x29: {  	s4 =	sld [smem:$0x3FB0]  }
0x2a: {  	p0 =	seq.s32 s5, $0x0;
	s5 =	sld [smem:$0x3FB1]  }
0x2b: {  	s6 =	sld [smem:$0x3FB2]  }
0x2c: {  	s7 =	sld [smem:$0x3FB3]  }
0x2d: {  	s3 =	simm.s32 $0x108;
	s8 =	sld [smem:$0x3FB4]  }
0x2e: {  	s3 =	simm.s32 @!p0 $0x1082;
	s9 =	sld [smem:$0x3FB5]  }
0x2f: {  	lr =	sadd.s32 s0, s3;
	s0 =	sld [smem:$0x3FAC]  }
0x30: {  	s3 =	sld [smem:$0x3FAF]  }
0x31: {  	[smem:$0x3FB8] =	sst s10  }
0x32: {  	s10 =	sld [smem:$0x3FB6];
	_ =	sdelay $0x3  }
0x33: {  	p0 =	seq.s32 s10, $0x1;
	s10 =	sld [smem:$0x3FB8];
	_ =	sdelay $0x3  }
0x34: {  	[smem:$0x3FB8] =	sst s10  }
0x35: {  	s10 =	sld [smem:$0x3FB7];
	_ =	sdelay $0x3  }
0x36: {  	p1 =	seq.s32 s10, $0x1;
	s10 =	sld [smem:$0x3FB8];
	_ =	sdelay $0x3  }
0x37: {  	[smem:$0x3FB8] =	sst s10  }
0x38: {  	s10 =	sld [smem:$0x3FB9]  }
0x39: {  	_ = 	snop;
	(pc) =	sbr.ind lr, $3  }
0x3a: {  	_ = 	snop  }
0x3b: {  	_ = 	snop  }
0x3c: {  	p2 =	seq.s32 s10, $0x1;
	s10 =	sld [smem:$0x3FB8]  }
0x3d: {  	_ =	shalt  }
0x3e: {  	_ =	shalt  }
0x3f: {  	_ =	shalt  }
0x40: {  	_ =	shalt  }
0x41: {  	_ =	shalt  }
0x42: {  	_ =	shalt  }
0x43: {  	_ =	shalt  }
0x44: {  	_ =	shalt  }
0x45: {  	_ =	shalt  }
0x46: {  	_ =	shalt  }
0x47: {  	_ =	shalt  }
0x48: {  	_ =	shalt  }
0x49: {  	_ =	shalt  }
0x4a: {  	_ =	shalt  }
0x4b: {  	_ =	shalt  }
0x4c: {  	_ =	shalt  }
0x4d: {  	_ =	shalt  }
0x4e: {  	_ =	shalt  }
0x4f: {  	_ =	shalt  }
0x50: {  	_ =	shalt  }
0x51: {  	_ =	shalt  }
0x52: {  	_ =	shalt  }
0x53: {  	_ =	shalt  }
0x54: {  	_ =	shalt  }
0x55: {  	_ =	shalt  }
0x56: {  	_ =	shalt  }
0x57: {  	_ =	shalt  }
0x58: {  	_ =	shalt  }
0x59: {  	_ =	shalt  }
0x5a: {  	_ =	shalt  }
0x5b: {  	_ =	shalt  }
0x5c: {  	_ =	shalt  }
0x5d: {  	_ =	shalt  }
0x5e: {  	_ =	shalt  }
0x5f: {  	_ =	shalt  }
0x60: {  	_ =	shalt  }
0x61: {  	_ =	shalt  }
0x62: {  	_ =	shalt  }
0x63: {  	_ =	shalt  }
0x64: {  	_ =	shalt  }
0x65: {  	_ =	shalt  }
0x66: {  	_ =	shalt  }
0x67: {  	_ =	shalt  }
0x68: {  	_ =	shalt  }
0x69: {  	_ =	shalt  }
0x6a: {  	_ =	shalt  }
0x6b: {  	_ =	shalt  }
0x6c: {  	_ =	shalt  }
0x6d: {  	_ =	shalt  }
0x6e: {  	_ =	shalt  }
0x6f: {  	_ =	shalt  }
0x70: {  	_ =	shalt  }
0x71: {  	_ =	shalt  }
0x72: {  	_ =	shalt  }
0x73: {  	_ =	shalt  }
0x74: {  	_ =	shalt  }
0x75: {  	_ =	shalt  }
0x76: {  	_ =	shalt  }
0x77: {  	_ =	shalt  }
0x78: {  	_ =	shalt  }
0x79: {  	_ =	shalt  }
0x7a: {  	_ =	shalt  }
0x7b: {  	_ =	shalt  }
0x7c: {  	_ =	shalt  }
0x7d: {  	_ =	shalt  }
0x7e: {  	_ =	shalt  }
0x7f: {  	_ =	shalt  }
0x80: {  	_ =	shalt  }
0x81: {  	_ =	shalt  }
0x82: {  	_ =	shalt  }
0x83: {  	_ =	shalt  }
0x84: {  	_ =	shalt  }
0x85: {  	_ =	shalt  }
0x86: {  	_ =	shalt  }
0x87: {  	_ =	shalt  }
.Lfunc_end0:
.L_simem_size_0:
called_computation.2_lowered:
.L_overlay_start_0:
0x88: {  	s2 =	sld [smem:$0x3FD9]  }
0x89: {  	s3 =	sld [smem:$0x3FFE];
	_ =	sdelay $0x1  }
0x8a: {  	s1 =	srdreg.scid  }
0x8b: {  	s0 =	sand.u32 $0x1, s1  }
0x8c: {  	s17 =	sshll.u32 s0, $0xA;
	s2 =	sadd.s32 s3, s2  }
0x8d: {  	s2 =	sadd.s32 s2, s17  }
0x8e: {  	[smem:$0x3FC4] =	sst s2  }
0x8f: {  	_ = 	snop  }
0x90: {  	s2 =	sld [smem:$0x3FD0];
	(tm) =	ssettm $0x1  }
0x91: {  	s18 =	sld [smem:$0x3FFB];
	_ =	sdelay $0x3  }
0x92: {  	_ =	strace s18  }
0x93: {  	s3 =	sld [smem:$0x3FFC];
	_ =	sdelay $0x3  }
0x94: {  	_ =	strace s3  }
0x95: {  	s3 =	sld [smem:$0x3FFD];
	_ =	sdelay $0x3  }
0x96: {  	_ =	strace s3  }
0x97: {  	_ =	strace $0x8FFFFFFF  }
0x98: {  	s19 =	sld [smem:$0x3FDB];
	_ =	sdelay $0x1  }
0x99: {  	s4 =	simm.s32 $_scs_section_size  }
0x9a: {  	s5 =	simm.s32 $_size__tile_overlayer_lowered;
	s6 =	simm.s32 $_tile_overlayer_lowered  }
0x9b: {  	s22 =	simm.s32 $0x1BFF;
	s21 =	sshll.u32 s6, $0x1;
	s3 =	sadd.s32 s4, s19  }
0x9c: {  	s7 =	simm.s32 $0x0;
	s20 =	sshll.u32 s5, $0x1;
	s5 =	sadd.s32 s21, s3  }
0x9d: {  	[timem:s7], [sflag:s22] =	dma.local [hbm:s5], s20  }
0x9e: {  	_ =	swait.ge [sflag:s22], s20  }
0x9f: {  	s4 =	ssub.s32 $0x0, s20;
	[sflag:s22] =	ssyncset.done $0x0  }
0xa0: {  	[sflag:s22] =	ssyncadd.s32 s4;
	_ =	sdelay $0x1  }
0xa1: {  	s23 =	simm.s32 $0x1B8B  }
0xa2: {  	_ =	swait.ge [sflag:s23], $0x1  }
0xa3: {  	[sflag:s23] =	ssyncset.done $0x0  }
0xa4: {  	s25 =	simm.s32 $0x1B8E;
	s24 =	sld [smem:$0x3FFE];
	[sflag:s23] =	ssyncadd.s32 $0xFFFFFFFF  }
0xa5: {  	s26 =	simm.s32 $execute0_lowered;
	[smem:$0x3FD2] =	sst s25  }
0xa6: {  	s5 =	sshll.u32 s26, $0x1;
	_ =	strace $0x8000004C;
	[dreg:$0x1] =	wrdreg $0xFFFFFFFF  }
0xa7: {  	s28 =	simm.s32 $_size_execute0_lowered;
	s3 =	sadd.s32 s3, s5;
	[dreg:$0x0] =	wrdreg $0x0  }
0xa8: {  	s5 =	sshll.u32 s28, $0x1;
	[dreg:$0x2] =	wrdreg s3  }
0xa9: {  	[dreg:$0x3] =	wrdreg s5  }
0xaa: {  	[dreg:$0x4] =	wrdreg $0xC0  }
0xab: {  	_ =	task [dreg:s7], $0x5FFFF  }
0xac: {  	[dreg:$0x1] =	wrdreg $0xFFFFFFFF  }
0xad: {  	[dreg:$0x0] =	wrdreg $0x60  }
0xae: {  	[dreg:$0x2] =	wrdreg s24  }
0xaf: {  	[dreg:$0x3] =	wrdreg s2  }
0xb0: {  	[dreg:$0x4] =	wrdreg $0x9  }
0xb1: {  	_ =	task.clear_ibuf [dreg:s7], $0x5FFFF;
	_ =	strace $0x9000004C  }
0xb2: {  	s29 =	simm.s32 $0x9;
	_ =	strace $0x8000004E  }
0xb3: {  	_ =	swait.ge [sflag:s29], $0x1  }
0xb4: {  	[sflag:s29] =	ssyncadd.s32 $0xFFFFFFFF  }
0xb5: {  	_ =	strace $0x9000004E  }
0xb6: {  	_ =	sfence  }
0xb7: {  	s30 =	sld [smem:$0x0];
	_ =	sdelay $0x2  }
0xb8: {  	s31 =	sshll.u32 s1, $0xD;
	s1 =	sshrl.u32 s1, $0x2  }
0xb9: {  	s3 =	sand.u32 $0x4000, s31;
	s1 =	sadd.s32 s1, s30  }
0xba: {  	s0 =	sor.u32 s3, s0;
	s1 =	sshll.u32 s1, $0x11  }
0xbb: {  	s0 =	sor.u32 s1, s0  }
0xbc: {  	s0 =	sadd.s32 $0x8F2B, s0  }
0xbd: {  	[sflag:s0] =	ssyncadd.remote.s32 $0x1  }
0xbe: {  	_ =	sfence.sel $0xFFFF  }
0xbf: {  	[dreg:$0x0] =	wrdreg $0xFFFFFFFF;
	(pc) =	sbr.abs _section_cstart, $3  }
0xc0: {  	[dreg:$0x1] =	wrdreg $0xFFFFFFFF  }
0xc1: {  	_ =	task.clear_ibuf [dreg:s7], $0x2FFFF;
	_ =	strace $0x9FFFFFFF  }
0xc2: {  	(tm) =	ssettm $0x7FFFFFFF  }
0xc3: {  	_ =	shalt  }
tec
execute0_lowered:
.L_overlay_start_1:
0x0: {  	(tag) =	ssettag $0x1  }
0x1: {  	s0 =	rddreg [dreg:$0x0]  }
0x2: {  	s1 =	rddreg [dreg:$0x1];
	s2 =	simm.s32 $0x0  }
0x3: {  	s4 =	srdreg.scid;
	s5 =	stileid.u32;
	s17 =	simm.s32 $0x2  }
0x4: {  	s18 =	simm.s32 $0x200;
	s30 =	simm.s32 $0x1C00;
	s31 =	simm.s32 $0xE00  }
0x5: {  	s19 =	simm.s32 $0x2400;
	s20 =	simm.s32 $0x1;
	s21 =	simm.s32 $0x2600  }
0x6: {  	s22 =	simm.s32 $0x0;
	[smem:$0x7FF] =	sst s2;
	s3 =	sadd.s32 $0x5CA00, s0  }
0x7: {  	s11 =	sand.u32 $0x1, s4;
	s6 =	sshll.u32 s5, $0x1;
	s4 =	sadd.s32 $0x59800, s0  }
0x8: {  	s5 =	sadd.s32 $0x56600, s0;
	s7 =	sadd.s32 $0x50200, s0;
	s8 =	sadd.s32 $0x4D000, s0  }
0x9: {  	s9 =	sadd.s32 $0x49E00, s0;
	s10 =	sadd.s32 $0x46C00, s0;
	_ =	strace $0x8000004D  }
0xa: {  	s12 =	sor.u32 s11, s6;
	s6 =	sadd.s32 $0x53400, s0;
	s11 =	ssub.s32 $0x2, s11  }
0xb: {  	s13 =	smul.u32 $0x3400, s12;
	s15 =	sshll.u32 s12, $0x6;
	s29 =	sshrl.u32 s11, $0x1  }
0xc: {  	s14 =	sadd.s32 s15, s0;
	s16 =	ssub.s32 s11, s29;
	s15 =	sadd.s32 s1, s15  }
0xd: {  	s1 =	simm.s32 $0x2000;
	s28 =	sshrl.u32 s13, $0x3;
	s12 =	sadd.s32 $0x46400, s14  }
0xe: {  	s13 =	sadd.s32 $0x45C00, s14;
	s14 =	sadd.s32 $0x29200, s14;
	s0 =	sadd.s32 s0, s28  }
0xf: {  	s16 =	smax.u32 s16, $0x1;
	s11 =	sadd.s32 $0x1C680, s0;
	s0 =	simm.s32 $0x1E00  }
.LBB2_1:
0x10: {  	[tilespmem:s2], [sflag:$0x2] =	stream.linear.gather [hbm4b:s11+s2], $0x1000, $0x38;
	[tilespmem:$0x2800] =	vst v63  }
0x11: {  	_ =	swait.ge [sflag:s17], $0x1000  }
0x12: {  	[sflag:s17] =	ssyncset.done $0x0  }
0x13: {  	s23 =	simm.s32 $0x1000;
	[sflag:s17] =	ssyncadd.s32 $0xFFFFF000  }
0x14: {  	[tilespmem:s23], [sflag:$0x1] =	stream.indirect.gather [hbm4b:s3+s18], $0x1, s2, s18, $0xb8;
	[tilespmem:$0x2800] =	vst v63  }
0x15: {  	s24 =	simm.s32 $0x1200  }
0x16: {  	[tilespmem:s24], [sflag:$0x1] =	stream.indirect.gather [hbm4b:s4+s18], $0x1, s18, s18, $0xb8;
	[tilespmem:$0x2800] =	vst v63  }
0x17: {  	s29 =	simm.s32 $0x400;
	s25 =	simm.s32 $0x1400  }
0x18: {  	[tilespmem:s25], [sflag:$0x1] =	stream.indirect.gather [hbm4b:s5+s18], $0x1, s29, s18, $0xb8;
	[tilespmem:$0x2800] =	vst v63  }
0x19: {  	s26 =	simm.s32 $0x600;
	s29 =	simm.s32 $0x1600  }
0x1a: {  	[tilespmem:s29], [sflag:$0x1] =	stream.indirect.gather [hbm4b:s6+s18], $0x1, s26, s18, $0xb8;
	[tilespmem:$0x2800] =	vst v63  }
0x1b: {  	s26 =	simm.s32 $0x800;
	s29 =	simm.s32 $0x1800  }
0x1c: {  	[tilespmem:s29], [sflag:$0x1] =	stream.indirect.gather [hbm4b:s7+s18], $0x1, s26, s18, $0xb8;
	[tilespmem:$0x2800] =	vst v63  }
0x1d: {  	s26 =	simm.s32 $0xA00;
	s29 =	simm.s32 $0x1A00  }
0x1e: {  	[tilespmem:s29], [sflag:$0x1] =	stream.indirect.gather [hbm4b:s8+s18], $0x1, s26, s18, $0xb8;
	[tilespmem:$0x2800] =	vst v63  }
0x1f: {  	s26 =	simm.s32 $0xC00  }
0x20: {  	[tilespmem:s30], [sflag:$0x1] =	stream.indirect.gather [hbm4b:s9+s18], $0x1, s26, s18, $0xb8;
	[tilespmem:$0x2800] =	vst v63  }
0x21: {  	_ = 	snop  }
0x22: {  	[tilespmem:s0], [sflag:$0x1] =	stream.indirect.gather [hbm4b:s10+s18], $0x1, s31, s18, $0xb8;
	[tilespmem:$0x2800] =	vst v63  }
0x23: {  	_ = 	snop  }
0x24: {  	[tilespmem:s1], [sflag:$0x2] =	stream.linear.gather [hbm4b:s12+s2], $0x200, $0x38;
	[tilespmem:$0x2800] =	vst v63  }
0x25: {  	_ =	swait.ge [sflag:s17], $0x200  }
0x26: {  	[sflag:s17] =	ssyncset.done $0x0  }
0x27: {  	s23 =	simm.s32 $0x2200;
	[sflag:s17] =	ssyncadd.s32 $0xFFFFFE00  }
0x28: {  	[tilespmem:s23], [sflag:$0x2] =	stream.linear.gather [hbm4b:s13+s2], $0x200, $0x38;
	[tilespmem:$0x2800] =	vst v63  }
0x29: {  	_ =	swait.ge [sflag:s17], $0x200  }
0x2a: {  	[sflag:s17] =	ssyncset.done $0x0  }
0x2b: {  	[sflag:s17] =	ssyncadd.s32 $0xFFFFFE00  }
0x2c: {  	[tilespmem:s19], [sflag:$0x2] =	stream.linear.gather [hbm4b:s14+s2], $0x200, $0x38;
	[tilespmem:$0x2800] =	vst v63  }
0x2d: {  	_ =	swait.ge [sflag:s17], $0x200  }
0x2e: {  	[sflag:s17] =	ssyncset.done $0x0  }
0x2f: {  	[sflag:s17] =	ssyncadd.s32 $0xFFFFFE00  }
0x30: {  	_ =	swait.ge [sflag:s20], $0x200  }
0x31: {  	[sflag:s20] =	ssyncset.done $0x0  }
0x32: {  	[sflag:s20] =	ssyncadd.s32 $0xFFFFFE00  }
0x33: {  	_ =	swait.ge [sflag:s20], $0x200  }
0x34: {  	[sflag:s20] =	ssyncset.done $0x0  }
0x35: {  	[sflag:s20] =	ssyncadd.s32 $0xFFFFFE00  }
0x36: {  	_ =	swait.ge [sflag:s20], $0x200  }
0x37: {  	[sflag:s20] =	ssyncset.done $0x0  }
0x38: {  	[sflag:s20] =	ssyncadd.s32 $0xFFFFFE00  }
0x39: {  	_ =	swait.ge [sflag:s20], $0x200  }
0x3a: {  	[sflag:s20] =	ssyncset.done $0x0  }
0x3b: {  	[sflag:s20] =	ssyncadd.s32 $0xFFFFFE00  }
0x3c: {  	_ =	swait.ge [sflag:s20], $0x200  }
0x3d: {  	[sflag:s20] =	ssyncset.done $0x0  }
0x3e: {  	[sflag:s20] =	ssyncadd.s32 $0xFFFFFE00  }
0x3f: {  	_ =	swait.ge [sflag:s20], $0x200  }
0x40: {  	[sflag:s20] =	ssyncset.done $0x0  }
0x41: {  	[sflag:s20] =	ssyncadd.s32 $0xFFFFFE00  }
0x42: {  	_ =	swait.ge [sflag:s20], $0x200  }
0x43: {  	[sflag:s20] =	ssyncset.done $0x0  }
0x44: {  	[sflag:s20] =	ssyncadd.s32 $0xFFFFFE00  }
0x45: {  	_ =	swait.ge [sflag:s20], $0x200  }
0x46: {  	[sflag:s20] =	ssyncset.done $0x0  }
0x47: {  	[sflag:s20] =	ssyncadd.s32 $0xFFFFFE00  }
0x48: {  	v0 =	vld [tilespmem:s24+$0x0]  }
0x49: {  	v1 =	vld [tilespmem:s24+$0xFFFFFE00];
	_ =	sdelay $0x1  }
0x4a: {  	v2 =	vld [tilespmem:s24+$0x200]  }
0x4b: {  	s29 =	sand.u32 $0x1F0, s2  }
0x4c: {  	v3 =	vld [tilespmem:s29+$0x1600]  }
0x4d: {  	v0 =	vadd.f32 v0, v1  }
0x4e: {  	v1 =	vld [tilespmem:s29+$0x1800]  }
0x4f: {  	v0 =	vadd.f32 v2, v0  }
0x50: {  	v2 =	vld [tilespmem:s29+$0x1A00]  }
0x51: {  	v0 =	vadd.f32 v3, v0  }
0x52: {  	v3 =	vld [tilespmem:s29+$0x1C00]  }
0x53: {  	v0 =	vadd.f32 v1, v0  }
0x54: {  	v1 =	vld [tilespmem:s29+$0x1E00]  }
0x55: {  	v0 =	vadd.f32 v2, v0  }
0x56: {  	v2 =	vld [tilespmem:s23+$0xFFFFFE00]  }
0x57: {  	v0 =	vadd.f32 v3, v0  }
0x58: {  	v3 =	vld [tilespmem:s23+$0x0]  }
0x59: {  	v0 =	vadd.f32 v1, v0  }
0x5a: {  	v1 =	vld [tilespmem:s23+$0x200]  }
0x5b: {  	v0 =	vadd.f32 v2, v0;
	_ =	sdelay $0x1  }
0x5c: {  	v0 =	vadd.f32 v3, v0;
	_ =	sdelay $0x1  }
0x5d: {  	v0 =	vadd.f32 v1, v0;
	_ =	sdelay $0x1  }
0x5e: {  	s25 =	simm.s32 $0x1210;
	[tilespmem:s21+$0x0] =	vst v0  }
0x5f: {  	v0 =	vld [tilespmem:s25+$0x0]  }
0x60: {  	s28 =	simm.s32 $0x20;
	s26 =	simm.s32 $0x10;
	s24 =	simm.s32 $0x2600;
	v1 =	vld [tilespmem:s25+$0xFFFFFE00]  }
.LBB2_2:
0x61: {  	p0 =	sne.s32 s28, $0x1F0  }
0x62: {  	v2 =	vld [tilespmem:s25+$0x200]  }
0x63: {  	s29 =	sand.u32 $0x1F0, s26;
	s26 =	smov.u32 s28  }
0x64: {  	v3 =	vld [tilespmem:s29+$0x1600]  }
0x65: {  	v0 =	vadd.f32 v0, v1  }
0x66: {  	v1 =	vld [tilespmem:s29+$0x1800]  }
0x67: {  	v0 =	vadd.f32 v2, v0  }
0x68: {  	v2 =	vld [tilespmem:s29+$0x1A00]  }
0x69: {  	v0 =	vadd.f32 v3, v0  }
0x6a: {  	v3 =	vld [tilespmem:s29+$0x1C00]  }
0x6b: {  	v0 =	vadd.f32 v1, v0  }
0x6c: {  	v1 =	vld [tilespmem:s29+$0x1E00]  }
0x6d: {  	s23 =	sadd.s32 $0x10, s23;
	v0 =	vadd.f32 v2, v0  }
0x6e: {  	v2 =	vld [tilespmem:s23+$0xFFFFFE00]  }
0x6f: {  	v0 =	vadd.f32 v3, v0  }
0x70: {  	v3 =	vld [tilespmem:s23+$0x0]  }
0x71: {  	v0 =	vadd.f32 v1, v0  }
0x72: {  	v1 =	vld [tilespmem:s23+$0x200]  }
0x73: {  	v0 =	vadd.f32 v2, v0;
	_ =	sdelay $0x1  }
0x74: {  	v0 =	vadd.f32 v3, v0;
	_ =	sdelay $0x1  }
.Ltmp0:
0x75: {  	v0 =	vadd.f32 v1, v0;
	(pc) =	sbr.rel @p0 .LBB2_2-.Ltmp0, $4  }
0x76: {  	s24 =	sadd.s32 $0x10, s24  }
0x77: {  	s25 =	sadd.s32 $0x10, s25;
	[tilespmem:s24+$0x0] =	vst v0  }
0x78: {  	v0 =	vld [tilespmem:s25+$0x0]  }
0x79: {  	s28 =	sadd.s32 $0x10, s28;
	v1 =	vld [tilespmem:s25+$0xFFFFFE00]  }
0x7a: {  	_ = 	snop  }
0x7b: {  	v2 =	vld [tilespmem:s25+$0x200]  }
0x7c: {  	s28 =	sand.u32 $0x1F0, s26  }
0x7d: {  	v3 =	vld [tilespmem:s28+$0x1600]  }
0x7e: {  	v0 =	vadd.f32 v0, v1  }
0x7f: {  	v57 =	vld [tilespmem:s28+$0x1800]  }
0x80: {  	v0 =	vadd.f32 v2, v0  }
0x81: {  	v58 =	vld [tilespmem:s28+$0x1A00]  }
0x82: {  	v0 =	vadd.f32 v3, v0  }
0x83: {  	v59 =	vld [tilespmem:s28+$0x1C00]  }
0x84: {  	v0 =	vadd.f32 v57, v0  }
0x85: {  	v60 =	vld [tilespmem:s28+$0x1E00]  }
0x86: {  	s23 =	sadd.s32 $0x10, s23;
	v0 =	vadd.f32 v58, v0  }
0x87: {  	v61 =	vld [tilespmem:s23+$0xFFFFFE00]  }
0x88: {  	v0 =	vadd.f32 v59, v0  }
0x89: {  	v62 =	vld [tilespmem:s23+$0x0]  }
0x8a: {  	v0 =	vadd.f32 v60, v0  }
0x8b: {  	v63 =	vld [tilespmem:s23+$0x200]  }
0x8c: {  	v0 =	vadd.f32 v61, v0;
	_ =	sdelay $0x1  }
0x8d: {  	v0 =	vadd.f32 v62, v0;
	_ =	sdelay $0x1  }
0x8e: {  	s22 =	sadd.s32 $0x1, s22;
	v0 =	vadd.f32 v63, v0  }
0x8f: {  	s29 =	sadd.s32 $0x10, s24;
	p0 =	sne.s32 s22, s16  }
.Ltmp1:
0x90: {  	[tilespmem:s29+$0x0] =	vst v0;
	(pc) =	sbr.rel @p0 .LBB2_1-.Ltmp1, $4  }
0x91: {  	[hbm4b:s15+s2] =	stream.linear.scatter [tilespmem:s21], [sflag:$0x2], $0x200, $0x38;
	[tilespmem:$0x2800] =	vst v63  }
0x92: {  	_ =	swait.ge [sflag:s17], $0x200  }
0x93: {  	[sflag:s17] =	ssyncset.done $0x0  }
0x94: {  	[sflag:s17] =	ssyncadd.s32 $0xFFFFFE00  }
0x95: {  	_ =	sfence.sel $0x180000  }
0x96: {  	[bflag:$0x0] =	sbarrier.arrive $0xFFFF  }
0x97: {  	_ =	strace $0x9000004D  }
0x98: {  	s0 =	stileid.u32;
	[bflag:$0x2] =	sbarrier.arrive $0xFFFF  }
0x99: {  	p0 =	sne.s32 s0, $0x0;
	s0 =	rddreg [dreg:$0x2]  }
0x9a: {  	s0 =	sadd.s32 @!p0 $0x100000, s0  }
0x9b: {  	[sflag:s0] =	ssyncadd.tile.s32 @!p0 $0x1;
	_ =	shalt  }
.Lfunc_end2:
_tile_overlayer_lowered:
.L_overlay_start_2:
0x9c: {  	(tag) =	ssettag $0x2  }
0x9d: {  	s0 =	rddreg [dreg:$0x0];
	s2 =	stileid.u32  }
0x9e: {  	s1 =	rddreg [dreg:$0x1];
	p0 =	sne.s32 s2, $0x0  }
0x9f: {  	s3 =	rddreg [dreg:$0x2];
	[bflag:$0x3] =	sbarrier.arrive $0xFFFF;
	s2 =	simm.s32 @!p0 $0x1C02  }
0xa0: {  	[timem:s3], [sflag:s2] =	dma.local @!p0 [hbm:s0], s1  }
0xa1: {  	s0 =	simm.s32 @!p0 $0x2  }
0xa2: {  	_ =	swait.ge @!p0 [sflag:s0], s1  }
0xa3: {  	s1 =	ssub.s32 @!p0 $0x0, s1;
	[sflag:s0] =	ssyncset.done @!p0 $0x0  }
0xa4: {  	[sflag:s0] =	ssyncadd.s32 @!p0 s1  }
0xa5: {  	[bflag:$0x3] =	sbarrier.arrive $0xFFFF  }
0xa6: {  	_ =	shalt  }

// kernel: kernel.6.cloned.1.call-start
scs
__scs_entry_jumppad:
0x0: {  	(pc) =	sbr.rel $0x88, $3  }
0x1: {  	(tag) =	ssettag $0x0;
	lr =	simm.s32 $0x1  }
0x2: {  	[smem:$0x3F9D] =	sst lr;
	_ =	strace $0xD0000000  }
0x3: {  	_ = 	snop  }
0x4: {  	_ = 	snop  }
0x5: {  	_ = 	snop  }
0x6: {  	_ = 	snop  }
0x7: {  	_ = 	snop  }
__scs_overlays_trampoline_lowered:
0x8: {  	[smem:$0x3FAC] =	sst s0  }
0x9: {  	[smem:$0x3FAD] =	sst s1  }
0xa: {  	[smem:$0x3FAE] =	sst s2  }
0xb: {  	[smem:$0x3FAF] =	sst s3  }
0xc: {  	[smem:$0x3FB0] =	sst s4  }
0xd: {  	[smem:$0x3FB1] =	sst s5  }
0xe: {  	[smem:$0x3FB2] =	sst s6  }
0xf: {  	[smem:$0x3FB3] =	sst s7  }
0x10: {  	[smem:$0x3FB4] =	sst s8  }
0x11: {  	[smem:$0x3FB5] =	sst s9;
	s0 =	simm.s32 @!p0 $0x0  }
0x12: {  	s1 =	sld [smem:$0x3F9B];
	s0 =	simm.s32 @p0 $0x1  }
0x13: {  	[smem:$0x3FB6] =	sst s0;
	s0 =	simm.s32 @!p1 $0x0  }
0x14: {  	s2 =	sld [smem:$0x3F9A];
	s0 =	simm.s32 @p1 $0x1  }
0x15: {  	[smem:$0x3FB7] =	sst s0;
	s0 =	simm.s32 @!p2 $0x0  }
0x16: {  	s3 =	sld [smem:$0x3FDB];
	s0 =	simm.s32 @p2 $0x1  }
0x17: {  	s4 =	simm.s32 $0x1BF5;
	[smem:$0x3FB9] =	sst s0  }
0x18: {  	s0 =	sld [smem:$0x3F9C];
	_ =	swait.ge [sflag:s4], $0x0  }
0x19: {  	s7 =	sld [smem:$0x3F9D]  }
0x1a: {  	s8 =	sadd.s32 $0xFFFFE003, lr  }
0x1b: {  	s9 =	sadd.s32 $0xFFFFFEF7, lr;
	s5 =	simm.s32 $0xFFFFFFFF;
	p2 =	slt.u32 s8, $0xFFFFF086  }
0x1c: {  	p1 =	slt.u32 s9, $0xF7A;
	s5 =	simm.s32 @!p2 $0x0  }
0x1d: {  	s5 =	simm.s32 @p1 $0x1;
	p0 =	seq.s32 s7, s2  }
0x1e: {  	s7 =	smul.u32 @!p0 $0xF7A, s2;
	p2 =	seq.s32 @!p0 s5, $0x0  }
0x1f: {  	s9 =	smul.u32 $0xF7A, s1;
	s8 =	simm.s32 @!p0 $0x1BF5;
	p2 =	por !p2, p0  }
0x20: {  	[sflag:s8] =	ssyncset.s32 @!p0 $0xFFFFF086;
	s6 =	sadd.s32 @!p0 s3, s7;
	s7 =	simm.s32 @!p0 $0x108  }
0x21: {  	s3 =	sadd.s32 s3, s9;
	s6 =	sadd.s32 @!p0 $0x88, s6;
	s7 =	simm.s32 @p2 $0x1082  }
0x22: {  	[simem:s7], [sflag:s8] =	dma.local @!p0 [hbm:s6], $0xF7A  }
0x23: {  	s9 =	sor.u32 $0xD0000000, s2;
	s6 =	simm.s32 $0x108;
	_ =	swait.ge @!p0 [sflag:s8], $0x0  }
0x24: {  	s3 =	sadd.s32 $0x88, s3;
	s6 =	simm.s32 @!p1 $0x1082;
	[sflag:s4] =	ssyncset.s32 $0xFFFFF086  }
0x25: {  	[simem:s6], [sflag:s4] =	dma.local [hbm:s3], $0xF7A  }
0x26: {  	[smem:$0x3F9D] =	sst s1;
	(tag) =	ssettag s2;
	_ =	strace s9  }
0x27: {  	s1 =	sld [smem:$0x3FAD]  }
0x28: {  	s2 =	sld [smem:$0x3FAE]  }
0x29: {  	s4 =	sld [smem:$0x3FB0]  }
0x2a: {  	p0 =	seq.s32 s5, $0x0;
	s5 =	sld [smem:$0x3FB1]  }
0x2b: {  	s6 =	sld [smem:$0x3FB2]  }
0x2c: {  	s7 =	sld [smem:$0x3FB3]  }
0x2d: {  	s3 =	simm.s32 $0x108;
	s8 =	sld [smem:$0x3FB4]  }
0x2e: {  	s3 =	simm.s32 @!p0 $0x1082;
	s9 =	sld [smem:$0x3FB5]  }
0x2f: {  	lr =	sadd.s32 s0, s3;
	s0 =	sld [smem:$0x3FAC]  }
0x30: {  	s3 =	sld [smem:$0x3FAF]  }
0x31: {  	[smem:$0x3FB8] =	sst s10  }
0x32: {  	s10 =	sld [smem:$0x3FB6];
	_ =	sdelay $0x3  }
0x33: {  	p0 =	seq.s32 s10, $0x1;
	s10 =	sld [smem:$0x3FB8];
	_ =	sdelay $0x3  }
0x34: {  	[smem:$0x3FB8] =	sst s10  }
0x35: {  	s10 =	sld [smem:$0x3FB7];
	_ =	sdelay $0x3  }
0x36: {  	p1 =	seq.s32 s10, $0x1;
	s10 =	sld [smem:$0x3FB8];
	_ =	sdelay $0x3  }
0x37: {  	[smem:$0x3FB8] =	sst s10  }
0x38: {  	s10 =	sld [smem:$0x3FB9]  }
0x39: {  	_ = 	snop;
	(pc) =	sbr.ind lr, $3  }
0x3a: {  	_ = 	snop  }
0x3b: {  	_ = 	snop  }
0x3c: {  	p2 =	seq.s32 s10, $0x1;
	s10 =	sld [smem:$0x3FB8]  }
0x3d: {  	_ =	shalt  }
0x3e: {  	_ =	shalt  }
0x3f: {  	_ =	shalt  }
0x40: {  	_ =	shalt  }
0x41: {  	_ =	shalt  }
0x42: {  	_ =	shalt  }
0x43: {  	_ =	shalt  }
0x44: {  	_ =	shalt  }
0x45: {  	_ =	shalt  }
0x46: {  	_ =	shalt  }
0x47: {  	_ =	shalt  }
0x48: {  	_ =	shalt  }
0x49: {  	_ =	shalt  }
0x4a: {  	_ =	shalt  }
0x4b: {  	_ =	shalt  }
0x4c: {  	_ =	shalt  }
0x4d: {  	_ =	shalt  }
0x4e: {  	_ =	shalt  }
0x4f: {  	_ =	shalt  }
0x50: {  	_ =	shalt  }
0x51: {  	_ =	shalt  }
0x52: {  	_ =	shalt  }
0x53: {  	_ =	shalt  }
0x54: {  	_ =	shalt  }
0x55: {  	_ =	shalt  }
0x56: {  	_ =	shalt  }
0x57: {  	_ =	shalt  }
0x58: {  	_ =	shalt  }
0x59: {  	_ =	shalt  }
0x5a: {  	_ =	shalt  }
0x5b: {  	_ =	shalt  }
0x5c: {  	_ =	shalt  }
0x5d: {  	_ =	shalt  }
0x5e: {  	_ =	shalt  }
0x5f: {  	_ =	shalt  }
0x60: {  	_ =	shalt  }
0x61: {  	_ =	shalt  }
0x62: {  	_ =	shalt  }
0x63: {  	_ =	shalt  }
0x64: {  	_ =	shalt  }
0x65: {  	_ =	shalt  }
0x66: {  	_ =	shalt  }
0x67: {  	_ =	shalt  }
0x68: {  	_ =	shalt  }
0x69: {  	_ =	shalt  }
0x6a: {  	_ =	shalt  }
0x6b: {  	_ =	shalt  }
0x6c: {  	_ =	shalt  }
0x6d: {  	_ =	shalt  }
0x6e: {  	_ =	shalt  }
0x6f: {  	_ =	shalt  }
0x70: {  	_ =	shalt  }
0x71: {  	_ =	shalt  }
0x72: {  	_ =	shalt  }
0x73: {  	_ =	shalt  }
0x74: {  	_ =	shalt  }
0x75: {  	_ =	shalt  }
0x76: {  	_ =	shalt  }
0x77: {  	_ =	shalt  }
0x78: {  	_ =	shalt  }
0x79: {  	_ =	shalt  }
0x7a: {  	_ =	shalt  }
0x7b: {  	_ =	shalt  }
0x7c: {  	_ =	shalt  }
0x7d: {  	_ =	shalt  }
0x7e: {  	_ =	shalt  }
0x7f: {  	_ =	shalt  }
0x80: {  	_ =	shalt  }
0x81: {  	_ =	shalt  }
0x82: {  	_ =	shalt  }
0x83: {  	_ =	shalt  }
0x84: {  	_ =	shalt  }
0x85: {  	_ =	shalt  }
0x86: {  	_ =	shalt  }
0x87: {  	_ =	shalt  }
.Lfunc_end0:
.L_simem_size_0:
called_computation_lowered:
.L_overlay_start_0:
0x88: {  	s2 =	sld [smem:$0x3FD9]  }
0x89: {  	s3 =	sld [smem:$0x3FFE];
	_ =	sdelay $0x1  }
0x8a: {  	s1 =	srdreg.scid  }
0x8b: {  	s0 =	sand.u32 $0x1, s1  }
0x8c: {  	s17 =	sshll.u32 s0, $0xA;
	s2 =	sadd.s32 s3, s2  }
0x8d: {  	s2 =	sadd.s32 s2, s17  }
0x8e: {  	[smem:$0x3FC4] =	sst s2  }
0x8f: {  	_ = 	snop  }
0x90: {  	(tm) =	ssettm $0x1  }
0x91: {  	s18 =	sld [smem:$0x3FFB];
	_ =	sdelay $0x3  }
0x92: {  	_ =	strace s18  }
0x93: {  	s2 =	sld [smem:$0x3FFC];
	_ =	sdelay $0x3  }
0x94: {  	_ =	strace s2  }
0x95: {  	s2 =	sld [smem:$0x3FFD];
	_ =	sdelay $0x3  }
0x96: {  	_ =	strace s2  }
0x97: {  	_ =	strace $0x8FFFFFFF  }
0x98: {  	s19 =	sld [smem:$0x3FDB];
	_ =	sdelay $0x1  }
0x99: {  	s20 =	simm.s32 $_scs_section_size  }
0x9a: {  	s4 =	simm.s32 $_size__tile_overlayer_lowered;
	s5 =	simm.s32 $_tile_overlayer_lowered  }
0x9b: {  	s6 =	simm.s32 $0x1BFF;
	s21 =	sshll.u32 s5, $0x1;
	s3 =	sadd.s32 s20, s19  }
0x9c: {  	s22 =	simm.s32 $0x0;
	s4 =	sshll.u32 s4, $0x1;
	s5 =	sadd.s32 s21, s3  }
0x9d: {  	[timem:s22], [sflag:s6] =	dma.local [hbm:s5], s4  }
0x9e: {  	_ =	swait.ge [sflag:s6], s4  }
0x9f: {  	s4 =	ssub.s32 $0x0, s4;
	[sflag:s6] =	ssyncset.done $0x0  }
0xa0: {  	[sflag:s6] =	ssyncadd.s32 s4;
	_ =	sdelay $0x1  }
0xa1: {  	s23 =	simm.s32 $0x1B8B  }
0xa2: {  	_ =	swait.ge [sflag:s23], $0x1  }
0xa3: {  	[sflag:s23] =	ssyncset.done $0x0  }
0xa4: {  	[sflag:s23] =	ssyncadd.s32 $0xFFFFFFFF  }
0xa5: {  	s4 =	sld [smem:$0x0]  }
0xa6: {  	s5 =	sand.u32 $0xFFFFFFFE, s1  }
0xa7: {  	p0 =	sne.s32 s1, s5  }
0xa8: {  	s5 =	sshll.u32 @p0 s5, $0xE  }
0xa9: {  	s5 =	sadd.s32 @p0 $0x11B8D, s5;
	s6 =	sshll.u32 @p0 s4, $0x11  }
0xaa: {  	s5 =	sor.u32 @p0 s6, s5  }
0xab: {  	[sflag:s5] =	ssyncadd.remote.s32 @p0 $0x1;
	_ =	sdelay $0x1  }
0xac: {  	s5 =	simm.s32 @p0 $0x1B8D  }
0xad: {  	_ =	swait.eq @p0 [sflag:s5], $0x1  }
0xae: {  	[sflag:s5] =	ssyncadd.s32 @p0 $0xFFFFFFFF  }
0xaf: {  	s6 =	sshll.u32 @!p0 s1, $0xE  }
0xb0: {  	s6 =	sor.u32 @!p0 $0x4000, s6;
	s5 =	simm.s32 @!p0 $0x1B8D  }
0xb1: {  	s4 =	sshll.u32 @!p0 s4, $0x11;
	s6 =	sadd.s32 @!p0 $0x11B8D, s6;
	_ =	swait.eq @!p0 [sflag:s5], $0x1  }
0xb2: {  	s4 =	sor.u32 @!p0 s4, s6;
	[sflag:s5] =	ssyncadd.s32 @!p0 $0xFFFFFFFF  }
0xb3: {  	s25 =	simm.s32 $0x1B8E;
	s24 =	sld [smem:$0x3FFE];
	[sflag:s4] =	ssyncadd.remote.s32 @!p0 $0x1  }
0xb4: {  	s26 =	simm.s32 $execute0_lowered;
	[smem:$0x3FD2] =	sst s25  }
0xb5: {  	s5 =	sshll.u32 s26, $0x1;
	_ =	strace $0x80000049;
	[dreg:$0x1] =	wrdreg $0xFFFFFFFF  }
0xb6: {  	s28 =	simm.s32 $_size_execute0_lowered;
	s3 =	sadd.s32 s3, s5;
	[dreg:$0x0] =	wrdreg $0x0  }
0xb7: {  	s5 =	sshll.u32 s28, $0x1;
	[dreg:$0x2] =	wrdreg s3  }
0xb8: {  	[dreg:$0x3] =	wrdreg s5  }
0xb9: {  	[dreg:$0x4] =	wrdreg $0xC0  }
0xba: {  	_ =	task [dreg:s22], $0x5FFFF  }
0xbb: {  	[dreg:$0x1] =	wrdreg $0xFFFFFFFF  }
0xbc: {  	[dreg:$0x0] =	wrdreg $0x60  }
0xbd: {  	[dreg:$0x2] =	wrdreg s24  }
0xbe: {  	[dreg:$0x3] =	wrdreg $0x9  }
0xbf: {  	_ =	task.clear_ibuf [dreg:s22], $0x4FFFF;
	_ =	strace $0x90000049  }
0xc0: {  	s29 =	simm.s32 $0x9;
	_ =	strace $0x8000004B  }
0xc1: {  	_ =	swait.ge [sflag:s29], $0x1  }
0xc2: {  	[sflag:s29] =	ssyncadd.s32 $0xFFFFFFFF  }
0xc3: {  	_ =	strace $0x9000004B  }
0xc4: {  	_ =	sfence  }
0xc5: {  	s30 =	sld [smem:$0x0];
	_ =	sdelay $0x2  }
0xc6: {  	s31 =	sshll.u32 s1, $0xD;
	s1 =	sshrl.u32 s1, $0x2  }
0xc7: {  	s4 =	sand.u32 $0x4000, s31;
	s1 =	sadd.s32 s1, s30  }
0xc8: {  	s0 =	sor.u32 s4, s0;
	s1 =	sshll.u32 s1, $0x11  }
0xc9: {  	s0 =	sor.u32 s1, s0  }
0xca: {  	s0 =	sadd.s32 $0x8F2B, s0  }
0xcb: {  	[sflag:s0] =	ssyncadd.remote.s32 $0x1  }
0xcc: {  	_ =	sfence.sel $0xFFFF  }
0xcd: {  	[dreg:$0x0] =	wrdreg $0xFFFFFFFF;
	(pc) =	sbr.abs _section_cstart, $3  }
0xce: {  	[dreg:$0x1] =	wrdreg $0xFFFFFFFF  }
0xcf: {  	_ =	task.clear_ibuf [dreg:s22], $0x2FFFF;
	_ =	strace $0x9FFFFFFF  }
0xd0: {  	(tm) =	ssettm $0x7FFFFFFF  }
0xd1: {  	_ =	shalt  }
tec
execute0_lowered:
.L_overlay_start_1:
0x0: {  	(tag) =	ssettag $0x1  }
0x1: {  	s0 =	srdreg.scid  }
0x2: {  	s1 =	stileid.u32;
	s12 =	rddreg [dreg:$0x0]  }
0x3: {  	s2 =	simm.s32 $0x0;
	s15 =	simm.s32 $0x2;
	s16 =	simm.s32 $0x200  }
0x4: {  	s23 =	simm.s32 $0x1A00;
	s24 =	simm.s32 $0xA00;
	s25 =	simm.s32 $0x1C00  }
0x5: {  	s28 =	simm.s32 $0x1E00;
	s29 =	simm.s32 $0xE00;
	s30 =	simm.s32 $0x2000  }
0x6: {  	s31 =	simm.s32 $0x1000;
	s17 =	simm.s32 $0x2400;
	s18 =	simm.s32 $0x0  }
0x7: {  	s0 =	sand.u32 $0x1, s0;
	s1 =	sshll.u32 s1, $0x1;
	[smem:$0x7FF] =	sst s2  }
0x8: {  	s4 =	sadd.s32 $0x3F800, s12;
	s5 =	sadd.s32 $0x3C600, s12;
	s6 =	sadd.s32 $0x39400, s12  }
0x9: {  	s7 =	sadd.s32 $0x36200, s12;
	s8 =	sadd.s32 $0x33000, s12;
	s9 =	sadd.s32 $0x2FE00, s12  }
0xa: {  	s10 =	sadd.s32 $0x2CC00, s12;
	s11 =	sadd.s32 $0x29A00, s12;
	s1 =	sor.u32 s0, s1  }
0xb: {  	s0 =	ssub.s32 $0x2, s0;
	s3 =	smul.u32 $0x680, s1;
	s1 =	sshll.u32 s1, $0x6  }
0xc: {  	_ =	strace $0x8000004A;
	s26 =	sshrl.u32 s0, $0x1;
	s1 =	sadd.s32 s1, s12  }
0xd: {  	s0 =	ssub.s32 s0, s26;
	s26 =	simm.s32 $0xC00;
	s13 =	sadd.s32 s3, s12  }
0xe: {  	s3 =	sadd.s32 $0x42A00, s12;
	s14 =	smax.u32 s0, $0x1;
	s0 =	simm.s32 $0x1  }
0xf: {  	s12 =	sadd.s32 $0x1C200, s13;
	s13 =	sadd.s32 $0x45C00, s1;
	s1 =	simm.s32 $0x2200  }
.LBB2_1:
0x10: {  	[tilespmem:s2], [sflag:$0x2] =	stream.linear.gather [hbm4b:s12+s2], $0x1200, $0x38;
	[tilespmem:$0x2600] =	vst v63  }
0x11: {  	_ =	swait.ge [sflag:s15], $0x1200  }
0x12: {  	[sflag:s15] =	ssyncset.done $0x0  }
0x13: {  	s19 =	simm.s32 $0x1200;
	[sflag:s15] =	ssyncadd.s32 $0xFFFFEE00  }
0x14: {  	[tilespmem:s19], [sflag:$0x1] =	stream.indirect.gather [hbm4b:s3+s16], $0x1, s2, s16, $0xb8;
	[tilespmem:$0x2600] =	vst v63  }
0x15: {  	s20 =	simm.s32 $0x1400  }
0x16: {  	[tilespmem:s20], [sflag:$0x1] =	stream.indirect.gather [hbm4b:s4+s16], $0x1, s16, s16, $0xb8;
	[tilespmem:$0x2600] =	vst v63  }
0x17: {  	s22 =	simm.s32 $0x400;
	s21 =	simm.s32 $0x1600  }
0x18: {  	[tilespmem:s21], [sflag:$0x1] =	stream.indirect.gather [hbm4b:s5+s16], $0x1, s22, s16, $0xb8;
	[tilespmem:$0x2600] =	vst v63  }
0x19: {  	s21 =	simm.s32 $0x600;
	s22 =	simm.s32 $0x1800  }
0x1a: {  	[tilespmem:s22], [sflag:$0x1] =	stream.indirect.gather [hbm4b:s6+s16], $0x1, s21, s16, $0xb8;
	[tilespmem:$0x2600] =	vst v63  }
0x1b: {  	s22 =	simm.s32 $0x800  }
0x1c: {  	[tilespmem:s23], [sflag:$0x1] =	stream.indirect.gather [hbm4b:s7+s16], $0x1, s22, s16, $0xb8;
	[tilespmem:$0x2600] =	vst v63  }
0x1d: {  	_ = 	snop  }
0x1e: {  	[tilespmem:s25], [sflag:$0x1] =	stream.indirect.gather [hbm4b:s8+s16], $0x1, s24, s16, $0xb8;
	[tilespmem:$0x2600] =	vst v63  }
0x1f: {  	_ = 	snop  }
0x20: {  	[tilespmem:s28], [sflag:$0x1] =	stream.indirect.gather [hbm4b:s9+s16], $0x1, s26, s16, $0xb8;
	[tilespmem:$0x2600] =	vst v63  }
0x21: {  	_ = 	snop  }
0x22: {  	[tilespmem:s30], [sflag:$0x1] =	stream.indirect.gather [hbm4b:s10+s16], $0x1, s29, s16, $0xb8;
	[tilespmem:$0x2600] =	vst v63  }
0x23: {  	_ = 	snop  }
0x24: {  	[tilespmem:s1], [sflag:$0x1] =	stream.indirect.gather [hbm4b:s11+s16], $0x1, s31, s16, $0xb8;
	[tilespmem:$0x2600] =	vst v63  }
0x25: {  	_ =	swait.ge [sflag:s0], $0x200  }
0x26: {  	[sflag:s0] =	ssyncset.done $0x0  }
0x27: {  	[sflag:s0] =	ssyncadd.s32 $0xFFFFFE00  }
0x28: {  	_ =	swait.ge [sflag:s0], $0x200  }
0x29: {  	[sflag:s0] =	ssyncset.done $0x0  }
0x2a: {  	[sflag:s0] =	ssyncadd.s32 $0xFFFFFE00  }
0x2b: {  	_ =	swait.ge [sflag:s0], $0x200  }
0x2c: {  	[sflag:s0] =	ssyncset.done $0x0  }
0x2d: {  	[sflag:s0] =	ssyncadd.s32 $0xFFFFFE00  }
0x2e: {  	_ =	swait.ge [sflag:s0], $0x200  }
0x2f: {  	[sflag:s0] =	ssyncset.done $0x0  }
0x30: {  	[sflag:s0] =	ssyncadd.s32 $0xFFFFFE00  }
0x31: {  	_ =	swait.ge [sflag:s0], $0x200  }
0x32: {  	[sflag:s0] =	ssyncset.done $0x0  }
0x33: {  	[sflag:s0] =	ssyncadd.s32 $0xFFFFFE00  }
0x34: {  	_ =	swait.ge [sflag:s0], $0x200  }
0x35: {  	[sflag:s0] =	ssyncset.done $0x0  }
0x36: {  	[sflag:s0] =	ssyncadd.s32 $0xFFFFFE00  }
0x37: {  	_ =	swait.ge [sflag:s0], $0x200  }
0x38: {  	[sflag:s0] =	ssyncset.done $0x0  }
0x39: {  	[sflag:s0] =	ssyncadd.s32 $0xFFFFFE00  }
0x3a: {  	_ =	swait.ge [sflag:s0], $0x200  }
0x3b: {  	[sflag:s0] =	ssyncset.done $0x0  }
0x3c: {  	[sflag:s0] =	ssyncadd.s32 $0xFFFFFE00  }
0x3d: {  	_ =	swait.ge [sflag:s0], $0x200  }
0x3e: {  	[sflag:s0] =	ssyncset.done $0x0  }
0x3f: {  	s21 =	sand.u32 $0x1F0, s2;
	[sflag:s0] =	ssyncadd.s32 $0xFFFFFE00  }
0x40: {  	v0 =	vld [tilespmem:s21+$0x1400]  }
0x41: {  	v1 =	vld [tilespmem:s19+$0x0];
	_ =	sdelay $0x1  }
0x42: {  	v2 =	vld [tilespmem:s21+$0x1600];
	_ =	sdelay $0x1  }
0x43: {  	v3 =	vld [tilespmem:s21+$0x1800]  }
0x44: {  	v0 =	vadd.f32 v0, v1  }
0x45: {  	v1 =	vld [tilespmem:s21+$0x1A00]  }
0x46: {  	v0 =	vadd.f32 v2, v0  }
0x47: {  	v2 =	vld [tilespmem:s21+$0x1C00]  }
0x48: {  	v0 =	vadd.f32 v3, v0  }
0x49: {  	v3 =	vld [tilespmem:s21+$0x1E00]  }
0x4a: {  	v0 =	vadd.f32 v1, v0  }
0x4b: {  	v1 =	vld [tilespmem:s21+$0x2000]  }
0x4c: {  	v0 =	vadd.f32 v2, v0  }
0x4d: {  	v2 =	vld [tilespmem:s21+$0x2200]  }
0x4e: {  	v0 =	vadd.f32 v3, v0;
	_ =	sdelay $0x1  }
0x4f: {  	v0 =	vadd.f32 v1, v0;
	_ =	sdelay $0x1  }
0x50: {  	v0 =	vadd.f32 v2, v0  }
0x51: {  	s22 =	simm.s32 $0x10  }
0x52: {  	s20 =	sand.u32 $0x1F0, s22;
	[tilespmem:s17+$0x0] =	vst v0  }
0x53: {  	s22 =	simm.s32 $0x20;
	s19 =	simm.s32 $0x2400;
	s21 =	simm.s32 $0x1210;
	v0 =	vld [tilespmem:s20+$0x1400]  }
.LBB2_2:
0x54: {  	p0 =	sne.s32 s22, $0x1F0;
	v1 =	vld [tilespmem:s21+$0x0];
	_ =	sdelay $0x1  }
0x55: {  	v2 =	vld [tilespmem:s20+$0x1600];
	_ =	sdelay $0x1  }
0x56: {  	v3 =	vld [tilespmem:s20+$0x1800]  }
0x57: {  	v0 =	vadd.f32 v0, v1  }
0x58: {  	v1 =	vld [tilespmem:s20+$0x1A00]  }
0x59: {  	v0 =	vadd.f32 v2, v0  }
0x5a: {  	v2 =	vld [tilespmem:s20+$0x1C00]  }
0x5b: {  	v0 =	vadd.f32 v3, v0  }
0x5c: {  	v3 =	vld [tilespmem:s20+$0x1E00]  }
0x5d: {  	v0 =	vadd.f32 v1, v0  }
0x5e: {  	v1 =	vld [tilespmem:s20+$0x2000]  }
0x5f: {  	v0 =	vadd.f32 v2, v0  }
0x60: {  	v2 =	vld [tilespmem:s20+$0x2200]  }
0x61: {  	v0 =	vadd.f32 v3, v0;
	_ =	sdelay $0x1  }
0x62: {  	v0 =	vadd.f32 v1, v0  }
.Ltmp0:
0x63: {  	(pc) =	sbr.rel @p0 .LBB2_2-.Ltmp0, $4  }
0x64: {  	v0 =	vadd.f32 v2, v0  }
0x65: {  	s19 =	sadd.s32 $0x10, s19  }
0x66: {  	s20 =	sand.u32 $0x1F0, s22;
	[tilespmem:s19+$0x0] =	vst v0  }
0x67: {  	s21 =	sadd.s32 $0x10, s21;
	s22 =	sadd.s32 $0x10, s22;
	v0 =	vld [tilespmem:s20+$0x1400]  }
0x68: {  	v1 =	vld [tilespmem:s21+$0x0];
	_ =	sdelay $0x1  }
0x69: {  	v2 =	vld [tilespmem:s20+$0x1600];
	_ =	sdelay $0x1  }
0x6a: {  	v3 =	vld [tilespmem:s20+$0x1800]  }
0x6b: {  	v0 =	vadd.f32 v0, v1  }
0x6c: {  	v59 =	vld [tilespmem:s20+$0x1A00]  }
0x6d: {  	v0 =	vadd.f32 v2, v0  }
0x6e: {  	v60 =	vld [tilespmem:s20+$0x1C00]  }
0x6f: {  	v0 =	vadd.f32 v3, v0  }
0x70: {  	v61 =	vld [tilespmem:s20+$0x1E00]  }
0x71: {  	v0 =	vadd.f32 v59, v0  }
0x72: {  	v62 =	vld [tilespmem:s20+$0x2000]  }
0x73: {  	v0 =	vadd.f32 v60, v0  }
0x74: {  	v63 =	vld [tilespmem:s20+$0x2200]  }
0x75: {  	v0 =	vadd.f32 v61, v0;
	_ =	sdelay $0x1  }
0x76: {  	v0 =	vadd.f32 v62, v0;
	_ =	sdelay $0x1  }
0x77: {  	s18 =	sadd.s32 $0x1, s18;
	v0 =	vadd.f32 v63, v0  }
0x78: {  	s19 =	sadd.s32 $0x10, s19;
	p0 =	sne.s32 s18, s14  }
.Ltmp1:
0x79: {  	[tilespmem:s19+$0x0] =	vst v0;
	(pc) =	sbr.rel @p0 .LBB2_1-.Ltmp1, $4  }
0x7a: {  	[hbm4b:s13+s2] =	stream.linear.scatter [tilespmem:s17], [sflag:$0x2], $0x200, $0x38;
	[tilespmem:$0x2600] =	vst v63  }
0x7b: {  	_ =	swait.ge [sflag:s15], $0x200  }
0x7c: {  	[sflag:s15] =	ssyncset.done $0x0  }
0x7d: {  	[sflag:s15] =	ssyncadd.s32 $0xFFFFFE00  }
0x7e: {  	_ =	sfence.sel $0x180000  }
0x7f: {  	[bflag:$0x0] =	sbarrier.arrive $0xFFFF  }
0x80: {  	_ =	strace $0x9000004A  }
0x81: {  	s0 =	stileid.u32;
	[bflag:$0x2] =	sbarrier.arrive $0xFFFF  }
0x82: {  	p0 =	sne.s32 s0, $0x0;
	s0 =	rddreg [dreg:$0x1]  }
0x83: {  	s0 =	sadd.s32 @!p0 $0x100000, s0  }
0x84: {  	[sflag:s0] =	ssyncadd.tile.s32 @!p0 $0x1;
	_ =	shalt  }
.Lfunc_end2:
_tile_overlayer_lowered:
.L_overlay_start_2:
0x85: {  	(tag) =	ssettag $0x2  }
0x86: {  	s0 =	rddreg [dreg:$0x0];
	s2 =	stileid.u32  }
0x87: {  	s1 =	rddreg [dreg:$0x1];
	p0 =	sne.s32 s2, $0x0  }
0x88: {  	s3 =	rddreg [dreg:$0x2];
	[bflag:$0x3] =	sbarrier.arrive $0xFFFF;
	s2 =	simm.s32 @!p0 $0x1C02  }
0x89: {  	[timem:s3], [sflag:s2] =	dma.local @!p0 [hbm:s0], s1  }
0x8a: {  	s0 =	simm.s32 @!p0 $0x2  }
0x8b: {  	_ =	swait.ge @!p0 [sflag:s0], s1  }
0x8c: {  	s1 =	ssub.s32 @!p0 $0x0, s1;
	[sflag:s0] =	ssyncset.done @!p0 $0x0  }
0x8d: {  	[sflag:s0] =	ssyncadd.s32 @!p0 s1  }
0x8e: {  	[bflag:$0x3] =	sbarrier.arrive $0xFFFF  }
0x8f: {  	_ =	shalt  }

// kernel: kernel.9.cloned.1.call-start
scs
__scs_entry_jumppad:
0x0: {  	(pc) =	sbr.rel $0x88, $3  }
0x1: {  	(tag) =	ssettag $0x0;
	lr =	simm.s32 $0x1  }
0x2: {  	[smem:$0x3F9D] =	sst lr;
	_ =	strace $0xD0000000  }
0x3: {  	_ = 	snop  }
0x4: {  	_ = 	snop  }
0x5: {  	_ = 	snop  }
0x6: {  	_ = 	snop  }
0x7: {  	_ = 	snop  }
__scs_overlays_trampoline_lowered:
0x8: {  	[smem:$0x3FAC] =	sst s0  }
0x9: {  	[smem:$0x3FAD] =	sst s1  }
0xa: {  	[smem:$0x3FAE] =	sst s2  }
0xb: {  	[smem:$0x3FAF] =	sst s3  }
0xc: {  	[smem:$0x3FB0] =	sst s4  }
0xd: {  	[smem:$0x3FB1] =	sst s5  }
0xe: {  	[smem:$0x3FB2] =	sst s6  }
0xf: {  	[smem:$0x3FB3] =	sst s7  }
0x10: {  	[smem:$0x3FB4] =	sst s8  }
0x11: {  	[smem:$0x3FB5] =	sst s9;
	s0 =	simm.s32 @!p0 $0x0  }
0x12: {  	s1 =	sld [smem:$0x3F9B];
	s0 =	simm.s32 @p0 $0x1  }
0x13: {  	[smem:$0x3FB6] =	sst s0;
	s0 =	simm.s32 @!p1 $0x0  }
0x14: {  	s2 =	sld [smem:$0x3F9A];
	s0 =	simm.s32 @p1 $0x1  }
0x15: {  	[smem:$0x3FB7] =	sst s0;
	s0 =	simm.s32 @!p2 $0x0  }
0x16: {  	s3 =	sld [smem:$0x3FDB];
	s0 =	simm.s32 @p2 $0x1  }
0x17: {  	s4 =	simm.s32 $0x1BF5;
	[smem:$0x3FB9] =	sst s0  }
0x18: {  	s0 =	sld [smem:$0x3F9C];
	_ =	swait.ge [sflag:s4], $0x0  }
0x19: {  	s7 =	sld [smem:$0x3F9D]  }
0x1a: {  	s8 =	sadd.s32 $0xFFFFE003, lr  }
0x1b: {  	s9 =	sadd.s32 $0xFFFFFEF7, lr;
	s5 =	simm.s32 $0xFFFFFFFF;
	p2 =	slt.u32 s8, $0xFFFFF086  }
0x1c: {  	p1 =	slt.u32 s9, $0xF7A;
	s5 =	simm.s32 @!p2 $0x0  }
0x1d: {  	s5 =	simm.s32 @p1 $0x1;
	p0 =	seq.s32 s7, s2  }
0x1e: {  	s7 =	smul.u32 @!p0 $0xF7A, s2;
	p2 =	seq.s32 @!p0 s5, $0x0  }
0x1f: {  	s9 =	smul.u32 $0xF7A, s1;
	s8 =	simm.s32 @!p0 $0x1BF5;
	p2 =	por !p2, p0  }
0x20: {  	[sflag:s8] =	ssyncset.s32 @!p0 $0xFFFFF086;
	s6 =	sadd.s32 @!p0 s3, s7;
	s7 =	simm.s32 @!p0 $0x108  }
0x21: {  	s3 =	sadd.s32 s3, s9;
	s6 =	sadd.s32 @!p0 $0x88, s6;
	s7 =	simm.s32 @p2 $0x1082  }
0x22: {  	[simem:s7], [sflag:s8] =	dma.local @!p0 [hbm:s6], $0xF7A  }
0x23: {  	s9 =	sor.u32 $0xD0000000, s2;
	s6 =	simm.s32 $0x108;
	_ =	swait.ge @!p0 [sflag:s8], $0x0  }
0x24: {  	s3 =	sadd.s32 $0x88, s3;
	s6 =	simm.s32 @!p1 $0x1082;
	[sflag:s4] =	ssyncset.s32 $0xFFFFF086  }
0x25: {  	[simem:s6], [sflag:s4] =	dma.local [hbm:s3], $0xF7A  }
0x26: {  	[smem:$0x3F9D] =	sst s1;
	(tag) =	ssettag s2;
	_ =	strace s9  }
0x27: {  	s1 =	sld [smem:$0x3FAD]  }
0x28: {  	s2 =	sld [smem:$0x3FAE]  }
0x29: {  	s4 =	sld [smem:$0x3FB0]  }
0x2a: {  	p0 =	seq.s32 s5, $0x0;
	s5 =	sld [smem:$0x3FB1]  }
0x2b: {  	s6 =	sld [smem:$0x3FB2]  }
0x2c: {  	s7 =	sld [smem:$0x3FB3]  }
0x2d: {  	s3 =	simm.s32 $0x108;
	s8 =	sld [smem:$0x3FB4]  }
0x2e: {  	s3 =	simm.s32 @!p0 $0x1082;
	s9 =	sld [smem:$0x3FB5]  }
0x2f: {  	lr =	sadd.s32 s0, s3;
	s0 =	sld [smem:$0x3FAC]  }
0x30: {  	s3 =	sld [smem:$0x3FAF]  }
0x31: {  	[smem:$0x3FB8] =	sst s10  }
0x32: {  	s10 =	sld [smem:$0x3FB6];
	_ =	sdelay $0x3  }
0x33: {  	p0 =	seq.s32 s10, $0x1;
	s10 =	sld [smem:$0x3FB8];
	_ =	sdelay $0x3  }
0x34: {  	[smem:$0x3FB8] =	sst s10  }
0x35: {  	s10 =	sld [smem:$0x3FB7];
	_ =	sdelay $0x3  }
0x36: {  	p1 =	seq.s32 s10, $0x1;
	s10 =	sld [smem:$0x3FB8];
	_ =	sdelay $0x3  }
0x37: {  	[smem:$0x3FB8] =	sst s10  }
0x38: {  	s10 =	sld [smem:$0x3FB9]  }
0x39: {  	_ = 	snop;
	(pc) =	sbr.ind lr, $3  }
0x3a: {  	_ = 	snop  }
0x3b: {  	_ = 	snop  }
0x3c: {  	p2 =	seq.s32 s10, $0x1;
	s10 =	sld [smem:$0x3FB8]  }
0x3d: {  	_ =	shalt  }
0x3e: {  	_ =	shalt  }
0x3f: {  	_ =	shalt  }
0x40: {  	_ =	shalt  }
0x41: {  	_ =	shalt  }
0x42: {  	_ =	shalt  }
0x43: {  	_ =	shalt  }
0x44: {  	_ =	shalt  }
0x45: {  	_ =	shalt  }
0x46: {  	_ =	shalt  }
0x47: {  	_ =	shalt  }
0x48: {  	_ =	shalt  }
0x49: {  	_ =	shalt  }
0x4a: {  	_ =	shalt  }
0x4b: {  	_ =	shalt  }
0x4c: {  	_ =	shalt  }
0x4d: {  	_ =	shalt  }
0x4e: {  	_ =	shalt  }
0x4f: {  	_ =	shalt  }
0x50: {  	_ =	shalt  }
0x51: {  	_ =	shalt  }
0x52: {  	_ =	shalt  }
0x53: {  	_ =	shalt  }
0x54: {  	_ =	shalt  }
0x55: {  	_ =	shalt  }
0x56: {  	_ =	shalt  }
0x57: {  	_ =	shalt  }
0x58: {  	_ =	shalt  }
0x59: {  	_ =	shalt  }
0x5a: {  	_ =	shalt  }
0x5b: {  	_ =	shalt  }
0x5c: {  	_ =	shalt  }
0x5d: {  	_ =	shalt  }
0x5e: {  	_ =	shalt  }
0x5f: {  	_ =	shalt  }
0x60: {  	_ =	shalt  }
0x61: {  	_ =	shalt  }
0x62: {  	_ =	shalt  }
0x63: {  	_ =	shalt  }
0x64: {  	_ =	shalt  }
0x65: {  	_ =	shalt  }
0x66: {  	_ =	shalt  }
0x67: {  	_ =	shalt  }
0x68: {  	_ =	shalt  }
0x69: {  	_ =	shalt  }
0x6a: {  	_ =	shalt  }
0x6b: {  	_ =	shalt  }
0x6c: {  	_ =	shalt  }
0x6d: {  	_ =	shalt  }
0x6e: {  	_ =	shalt  }
0x6f: {  	_ =	shalt  }
0x70: {  	_ =	shalt  }
0x71: {  	_ =	shalt  }
0x72: {  	_ =	shalt  }
0x73: {  	_ =	shalt  }
0x74: {  	_ =	shalt  }
0x75: {  	_ =	shalt  }
0x76: {  	_ =	shalt  }
0x77: {  	_ =	shalt  }
0x78: {  	_ =	shalt  }
0x79: {  	_ =	shalt  }
0x7a: {  	_ =	shalt  }
0x7b: {  	_ =	shalt  }
0x7c: {  	_ =	shalt  }
0x7d: {  	_ =	shalt  }
0x7e: {  	_ =	shalt  }
0x7f: {  	_ =	shalt  }
0x80: {  	_ =	shalt  }
0x81: {  	_ =	shalt  }
0x82: {  	_ =	shalt  }
0x83: {  	_ =	shalt  }
0x84: {  	_ =	shalt  }
0x85: {  	_ =	shalt  }
0x86: {  	_ =	shalt  }
0x87: {  	_ =	shalt  }
.Lfunc_end0:
.L_simem_size_0:
called_computation.1_lowered:
.L_overlay_start_0:
0x88: {  	s2 =	sld [smem:$0x3FD9]  }
0x89: {  	s3 =	sld [smem:$0x3FFE];
	_ =	sdelay $0x1  }
0x8a: {  	s1 =	srdreg.scid  }
0x8b: {  	s0 =	sand.u32 $0x1, s1  }
0x8c: {  	s16 =	sshll.u32 s0, $0xA;
	s2 =	sadd.s32 s3, s2  }
0x8d: {  	s2 =	sadd.s32 s2, s16  }
0x8e: {  	[smem:$0x3FC4] =	sst s2  }
0x8f: {  	_ = 	snop  }
0x90: {  	(tm) =	ssettm $0x1  }
0x91: {  	s17 =	sld [smem:$0x3FFB];
	_ =	sdelay $0x3  }
0x92: {  	_ =	strace s17  }
0x93: {  	s2 =	sld [smem:$0x3FFC];
	_ =	sdelay $0x3  }
0x94: {  	_ =	strace s2  }
0x95: {  	s2 =	sld [smem:$0x3FFD];
	_ =	sdelay $0x3  }
0x96: {  	_ =	strace s2  }
0x97: {  	_ =	strace $0x8FFFFFFF  }
0x98: {  	s18 =	sld [smem:$0x3FDB];
	_ =	sdelay $0x1  }
0x99: {  	s19 =	simm.s32 $_scs_section_size  }
0x9a: {  	s4 =	simm.s32 $_size__tile_overlayer_lowered;
	s5 =	simm.s32 $_tile_overlayer_lowered  }
0x9b: {  	s22 =	simm.s32 $0x1BFF;
	s21 =	sshll.u32 s5, $0x1;
	s2 =	sadd.s32 s19, s18  }
0x9c: {  	s6 =	simm.s32 $0x0;
	s20 =	sshll.u32 s4, $0x1;
	s4 =	sadd.s32 s21, s2  }
0x9d: {  	[timem:s6], [sflag:s22] =	dma.local [hbm:s4], s20  }
0x9e: {  	_ =	swait.ge [sflag:s22], s20  }
0x9f: {  	s3 =	ssub.s32 $0x0, s20;
	[sflag:s22] =	ssyncset.done $0x0  }
0xa0: {  	[sflag:s22] =	ssyncadd.s32 s3;
	_ =	sdelay $0x1  }
0xa1: {  	s23 =	simm.s32 $0x1B8B  }
0xa2: {  	_ =	swait.ge [sflag:s23], $0x1  }
0xa3: {  	[sflag:s23] =	ssyncset.done $0x0  }
0xa4: {  	s25 =	simm.s32 $0x1B8E;
	s24 =	sld [smem:$0x3FFE];
	[sflag:s23] =	ssyncadd.s32 $0xFFFFFFFF  }
0xa5: {  	s26 =	simm.s32 $execute0_lowered;
	[smem:$0x3FD2] =	sst s25  }
0xa6: {  	s4 =	sshll.u32 s26, $0x1;
	_ =	strace $0x80000046;
	[dreg:$0x1] =	wrdreg $0xFFFFFFFF  }
0xa7: {  	s28 =	simm.s32 $_size_execute0_lowered;
	s2 =	sadd.s32 s2, s4;
	[dreg:$0x0] =	wrdreg $0x0  }
0xa8: {  	s4 =	sshll.u32 s28, $0x1;
	[dreg:$0x2] =	wrdreg s2  }
0xa9: {  	[dreg:$0x3] =	wrdreg s4  }
0xaa: {  	[dreg:$0x4] =	wrdreg $0xC0  }
0xab: {  	_ =	task [dreg:s6], $0x5FFFF  }
0xac: {  	[dreg:$0x1] =	wrdreg $0xFFFFFFFF  }
0xad: {  	[dreg:$0x0] =	wrdreg $0x60  }
0xae: {  	[dreg:$0x2] =	wrdreg s24  }
0xaf: {  	[dreg:$0x3] =	wrdreg $0xA  }
0xb0: {  	_ =	task.clear_ibuf [dreg:s6], $0x4FFFF;
	_ =	strace $0x90000046  }
0xb1: {  	s29 =	simm.s32 $0xA;
	_ =	strace $0x80000048  }
0xb2: {  	_ =	swait.ge [sflag:s29], $0x1  }
0xb3: {  	[sflag:s29] =	ssyncadd.s32 $0xFFFFFFFF  }
0xb4: {  	_ =	strace $0x90000048  }
0xb5: {  	_ =	sfence  }
0xb6: {  	s30 =	sld [smem:$0x0];
	_ =	sdelay $0x2  }
0xb7: {  	s31 =	sshll.u32 s1, $0xD;
	s1 =	sshrl.u32 s1, $0x2  }
0xb8: {  	s3 =	sand.u32 $0x4000, s31;
	s1 =	sadd.s32 s1, s30  }
0xb9: {  	s0 =	sor.u32 s3, s0;
	s1 =	sshll.u32 s1, $0x11  }
0xba: {  	s0 =	sor.u32 s1, s0  }
0xbb: {  	s0 =	sadd.s32 $0x8F2B, s0  }
0xbc: {  	[sflag:s0] =	ssyncadd.remote.s32 $0x1  }
0xbd: {  	_ =	sfence.sel $0xFFFF  }
0xbe: {  	[dreg:$0x0] =	wrdreg $0xFFFFFFFF;
	(pc) =	sbr.abs _section_cstart, $3  }
0xbf: {  	[dreg:$0x1] =	wrdreg $0xFFFFFFFF  }
0xc0: {  	_ =	task.clear_ibuf [dreg:s6], $0x2FFFF;
	_ =	strace $0x9FFFFFFF  }
0xc1: {  	(tm) =	ssettm $0x7FFFFFFF  }
tec
execute0_lowered:
.L_overlay_start_1:
0x0: {  	(tag) =	ssettag $0x1  }
0x1: {  	s1 =	rddreg [dreg:$0x0];
	s3 =	simm.s32 $0x0;
	s0 =	srdreg.scid  }
0x2: {  	s2 =	stileid.u32;
	s15 =	simm.s32 $0x2;
	s16 =	simm.s32 $0x200  }
0x3: {  	s23 =	simm.s32 $0x1A00;
	s24 =	simm.s32 $0xA00;
	s25 =	simm.s32 $0x1C00  }
0x4: {  	s26 =	simm.s32 $0xC00;
	s28 =	simm.s32 $0x1E00;
	s29 =	simm.s32 $0xE00  }
0x5: {  	s30 =	simm.s32 $0x2000;
	s31 =	simm.s32 $0x1000;
	s17 =	simm.s32 $0x2400  }
0x6: {  	s18 =	simm.s32 $0x0;
	[smem:$0x7FF] =	sst s3;
	s4 =	sadd.s32 $0x19000, s1  }
0x7: {  	s0 =	sand.u32 $0x1, s0;
	s2 =	sshll.u32 s2, $0x1;
	s5 =	sadd.s32 $0x15E00, s1  }
0x8: {  	s6 =	sadd.s32 $0x12C00, s1;
	s7 =	sadd.s32 $0xFA00, s1;
	s8 =	sadd.s32 $0xC800, s1  }
0x9: {  	s9 =	sadd.s32 $0x9600, s1;
	s10 =	sadd.s32 $0x6400, s1;
	s2 =	sor.u32 s0, s2  }
0xa: {  	s11 =	sadd.s32 $0x3200, s1;
	s0 =	ssub.s32 $0x2, s0;
	s12 =	smul.u32 $0x3400, s2  }
0xb: {  	_ =	strace $0x80000047;
	s2 =	sshll.u32 s2, $0x6;
	s13 =	sshrl.u32 s0, $0x1  }
0xc: {  	s2 =	sadd.s32 s2, s1;
	s0 =	ssub.s32 s0, s13;
	s12 =	sshrl.u32 s12, $0x3  }
0xd: {  	s13 =	sadd.s32 $0x29200, s2;
	s14 =	smax.u32 s0, $0x1;
	s12 =	sadd.s32 s1, s12  }
0xe: {  	s0 =	simm.s32 $0x2200;
	s2 =	simm.s32 $0x1;
	s12 =	sadd.s32 $0x1C440, s12  }
.LBB2_1:
0xf: {  	[tilespmem:s3], [sflag:$0x2] =	stream.linear.gather [hbm4b:s12+s3], $0x1200, $0x38;
	[tilespmem:$0x2600] =	vst v63  }
0x10: {  	_ =	swait.ge [sflag:s15], $0x1200  }
0x11: {  	[sflag:s15] =	ssyncset.done $0x0  }
0x12: {  	s19 =	simm.s32 $0x1200;
	[sflag:s15] =	ssyncadd.s32 $0xFFFFEE00  }
0x13: {  	[tilespmem:s19], [sflag:$0x1] =	stream.indirect.gather [hbm4b:s4+s16], $0x1, s3, s16, $0xb8;
	[tilespmem:$0x2600] =	vst v63  }
0x14: {  	s20 =	simm.s32 $0x1400  }
0x15: {  	[tilespmem:s20], [sflag:$0x1] =	stream.indirect.gather [hbm4b:s5+s16], $0x1, s16, s16, $0xb8;
	[tilespmem:$0x2600] =	vst v63  }
0x16: {  	s22 =	simm.s32 $0x400;
	s21 =	simm.s32 $0x1600  }
0x17: {  	[tilespmem:s21], [sflag:$0x1] =	stream.indirect.gather [hbm4b:s6+s16], $0x1, s22, s16, $0xb8;
	[tilespmem:$0x2600] =	vst v63  }
0x18: {  	s21 =	simm.s32 $0x600;
	s22 =	simm.s32 $0x1800  }
0x19: {  	[tilespmem:s22], [sflag:$0x1] =	stream.indirect.gather [hbm4b:s7+s16], $0x1, s21, s16, $0xb8;
	[tilespmem:$0x2600] =	vst v63  }
0x1a: {  	s22 =	simm.s32 $0x800  }
0x1b: {  	[tilespmem:s23], [sflag:$0x1] =	stream.indirect.gather [hbm4b:s8+s16], $0x1, s22, s16, $0xb8;
	[tilespmem:$0x2600] =	vst v63  }
0x1c: {  	_ = 	snop  }
0x1d: {  	[tilespmem:s25], [sflag:$0x1] =	stream.indirect.gather [hbm4b:s9+s16], $0x1, s24, s16, $0xb8;
	[tilespmem:$0x2600] =	vst v63  }
0x1e: {  	_ = 	snop  }
0x1f: {  	[tilespmem:s28], [sflag:$0x1] =	stream.indirect.gather [hbm4b:s10+s16], $0x1, s26, s16, $0xb8;
	[tilespmem:$0x2600] =	vst v63  }
0x20: {  	_ = 	snop  }
0x21: {  	[tilespmem:s30], [sflag:$0x1] =	stream.indirect.gather [hbm4b:s11+s16], $0x1, s29, s16, $0xb8;
	[tilespmem:$0x2600] =	vst v63  }
0x22: {  	_ = 	snop  }
0x23: {  	[tilespmem:s0], [sflag:$0x1] =	stream.indirect.gather [hbm4b:s1+s16], $0x1, s31, s16, $0xb8;
	[tilespmem:$0x2600] =	vst v63  }
0x24: {  	_ =	swait.ge [sflag:s2], $0x200  }
0x25: {  	[sflag:s2] =	ssyncset.done $0x0  }
0x26: {  	[sflag:s2] =	ssyncadd.s32 $0xFFFFFE00  }
0x27: {  	_ =	swait.ge [sflag:s2], $0x200  }
0x28: {  	[sflag:s2] =	ssyncset.done $0x0  }
0x29: {  	[sflag:s2] =	ssyncadd.s32 $0xFFFFFE00  }
0x2a: {  	_ =	swait.ge [sflag:s2], $0x200  }
0x2b: {  	[sflag:s2] =	ssyncset.done $0x0  }
0x2c: {  	[sflag:s2] =	ssyncadd.s32 $0xFFFFFE00  }
0x2d: {  	_ =	swait.ge [sflag:s2], $0x200  }
0x2e: {  	[sflag:s2] =	ssyncset.done $0x0  }
0x2f: {  	[sflag:s2] =	ssyncadd.s32 $0xFFFFFE00  }
0x30: {  	_ =	swait.ge [sflag:s2], $0x200  }
0x31: {  	[sflag:s2] =	ssyncset.done $0x0  }
0x32: {  	[sflag:s2] =	ssyncadd.s32 $0xFFFFFE00  }
0x33: {  	_ =	swait.ge [sflag:s2], $0x200  }
0x34: {  	[sflag:s2] =	ssyncset.done $0x0  }
0x35: {  	[sflag:s2] =	ssyncadd.s32 $0xFFFFFE00  }
0x36: {  	_ =	swait.ge [sflag:s2], $0x200  }
0x37: {  	[sflag:s2] =	ssyncset.done $0x0  }
0x38: {  	[sflag:s2] =	ssyncadd.s32 $0xFFFFFE00  }
0x39: {  	_ =	swait.ge [sflag:s2], $0x200  }
0x3a: {  	[sflag:s2] =	ssyncset.done $0x0  }
0x3b: {  	[sflag:s2] =	ssyncadd.s32 $0xFFFFFE00  }
0x3c: {  	_ =	swait.ge [sflag:s2], $0x200  }
0x3d: {  	[sflag:s2] =	ssyncset.done $0x0  }
0x3e: {  	s21 =	sand.u32 $0x1F0, s3;
	[sflag:s2] =	ssyncadd.s32 $0xFFFFFE00  }
0x3f: {  	v0 =	vld [tilespmem:s21+$0x1400]  }
0x40: {  	v1 =	vld [tilespmem:s19+$0x0];
	_ =	sdelay $0x1  }
0x41: {  	v2 =	vld [tilespmem:s21+$0x1600];
	_ =	sdelay $0x1  }
0x42: {  	v3 =	vld [tilespmem:s21+$0x1800]  }
0x43: {  	v0 =	vadd.f32 v0, v1  }
0x44: {  	v1 =	vld [tilespmem:s21+$0x1A00]  }
0x45: {  	v0 =	vadd.f32 v2, v0  }
0x46: {  	v2 =	vld [tilespmem:s21+$0x1C00]  }
0x47: {  	v0 =	vadd.f32 v3, v0  }
0x48: {  	v3 =	vld [tilespmem:s21+$0x1E00]  }
0x49: {  	v0 =	vadd.f32 v1, v0  }
0x4a: {  	v1 =	vld [tilespmem:s21+$0x2000]  }
0x4b: {  	v0 =	vadd.f32 v2, v0  }
0x4c: {  	v2 =	vld [tilespmem:s21+$0x2200]  }
0x4d: {  	v0 =	vadd.f32 v3, v0;
	_ =	sdelay $0x1  }
0x4e: {  	v0 =	vadd.f32 v1, v0;
	_ =	sdelay $0x1  }
0x4f: {  	v0 =	vadd.f32 v2, v0  }
0x50: {  	s22 =	simm.s32 $0x10  }
0x51: {  	s20 =	sand.u32 $0x1F0, s22;
	[tilespmem:s17+$0x0] =	vst v0  }
0x52: {  	s22 =	simm.s32 $0x20;
	s19 =	simm.s32 $0x2400;
	s21 =	simm.s32 $0x1210;
	v0 =	vld [tilespmem:s20+$0x1400]  }
.LBB2_2:
0x53: {  	p0 =	sne.s32 s22, $0x1F0;
	v1 =	vld [tilespmem:s21+$0x0];
	_ =	sdelay $0x1  }
0x54: {  	v2 =	vld [tilespmem:s20+$0x1600];
	_ =	sdelay $0x1  }
0x55: {  	v3 =	vld [tilespmem:s20+$0x1800]  }
0x56: {  	v0 =	vadd.f32 v0, v1  }
0x57: {  	v1 =	vld [tilespmem:s20+$0x1A00]  }
0x58: {  	v0 =	vadd.f32 v2, v0  }
0x59: {  	v2 =	vld [tilespmem:s20+$0x1C00]  }
0x5a: {  	v0 =	vadd.f32 v3, v0  }
0x5b: {  	v3 =	vld [tilespmem:s20+$0x1E00]  }
0x5c: {  	v0 =	vadd.f32 v1, v0  }
0x5d: {  	v1 =	vld [tilespmem:s20+$0x2000]  }
0x5e: {  	v0 =	vadd.f32 v2, v0  }
0x5f: {  	v2 =	vld [tilespmem:s20+$0x2200]  }
0x60: {  	v0 =	vadd.f32 v3, v0;
	_ =	sdelay $0x1  }
0x61: {  	v0 =	vadd.f32 v1, v0  }
.Ltmp0:
0x62: {  	(pc) =	sbr.rel @p0 .LBB2_2-.Ltmp0, $4  }
0x63: {  	v0 =	vadd.f32 v2, v0  }
0x64: {  	s19 =	sadd.s32 $0x10, s19  }
0x65: {  	s20 =	sand.u32 $0x1F0, s22;
	[tilespmem:s19+$0x0] =	vst v0  }
0x66: {  	s21 =	sadd.s32 $0x10, s21;
	s22 =	sadd.s32 $0x10, s22;
	v0 =	vld [tilespmem:s20+$0x1400]  }
0x67: {  	v1 =	vld [tilespmem:s21+$0x0];
	_ =	sdelay $0x1  }
0x68: {  	v2 =	vld [tilespmem:s20+$0x1600];
	_ =	sdelay $0x1  }
0x69: {  	v3 =	vld [tilespmem:s20+$0x1800]  }
0x6a: {  	v0 =	vadd.f32 v0, v1  }
0x6b: {  	v59 =	vld [tilespmem:s20+$0x1A00]  }
0x6c: {  	v0 =	vadd.f32 v2, v0  }
0x6d: {  	v60 =	vld [tilespmem:s20+$0x1C00]  }
0x6e: {  	v0 =	vadd.f32 v3, v0  }
0x6f: {  	v61 =	vld [tilespmem:s20+$0x1E00]  }
0x70: {  	v0 =	vadd.f32 v59, v0  }
0x71: {  	v62 =	vld [tilespmem:s20+$0x2000]  }
0x72: {  	v0 =	vadd.f32 v60, v0  }
0x73: {  	v63 =	vld [tilespmem:s20+$0x2200]  }
0x74: {  	v0 =	vadd.f32 v61, v0;
	_ =	sdelay $0x1  }
0x75: {  	v0 =	vadd.f32 v62, v0;
	_ =	sdelay $0x1  }
0x76: {  	s18 =	sadd.s32 $0x1, s18;
	v0 =	vadd.f32 v63, v0  }
0x77: {  	s19 =	sadd.s32 $0x10, s19;
	p0 =	sne.s32 s18, s14  }
.Ltmp1:
0x78: {  	[tilespmem:s19+$0x0] =	vst v0;
	(pc) =	sbr.rel @p0 .LBB2_1-.Ltmp1, $4  }
0x79: {  	[hbm4b:s13+s3] =	stream.linear.scatter [tilespmem:s17], [sflag:$0x2], $0x200, $0x38;
	[tilespmem:$0x2600] =	vst v63  }
0x7a: {  	_ =	swait.ge [sflag:s15], $0x200  }
0x7b: {  	[sflag:s15] =	ssyncset.done $0x0  }
0x7c: {  	[sflag:s15] =	ssyncadd.s32 $0xFFFFFE00  }
0x7d: {  	_ =	sfence.sel $0x180000  }
0x7e: {  	[bflag:$0x0] =	sbarrier.arrive $0xFFFF  }
0x7f: {  	_ =	strace $0x90000047  }
0x80: {  	s0 =	stileid.u32;
	[bflag:$0x2] =	sbarrier.arrive $0xFFFF  }
0x81: {  	p0 =	sne.s32 s0, $0x0;
	s0 =	rddreg [dreg:$0x1]  }
0x82: {  	s0 =	sadd.s32 @!p0 $0x100000, s0  }
0x83: {  	[sflag:s0] =	ssyncadd.tile.s32 @!p0 $0x1;
	_ =	shalt  }
.Lfunc_end2:
_tile_overlayer_lowered:
.L_overlay_start_2:
0x84: {  	(tag) =	ssettag $0x2  }
0x85: {  	s0 =	rddreg [dreg:$0x0];
	s2 =	stileid.u32  }
0x86: {  	s1 =	rddreg [dreg:$0x1];
	p0 =	sne.s32 s2, $0x0  }
0x87: {  	s3 =	rddreg [dreg:$0x2];
	[bflag:$0x3] =	sbarrier.arrive $0xFFFF;
	s2 =	simm.s32 @!p0 $0x1C02  }
0x88: {  	[timem:s3], [sflag:s2] =	dma.local @!p0 [hbm:s0], s1  }
0x89: {  	s0 =	simm.s32 @!p0 $0x2  }
0x8a: {  	_ =	swait.ge @!p0 [sflag:s0], s1  }
0x8b: {  	s1 =	ssub.s32 @!p0 $0x0, s1;
	[sflag:s0] =	ssyncset.done @!p0 $0x0  }
0x8c: {  	[sflag:s0] =	ssyncadd.s32 @!p0 s1  }
0x8d: {  	[bflag:$0x3] =	sbarrier.arrive $0xFFFF  }
0x8e: {  	_ =	shalt  }

</sc_bundles>
